<compile_context>
chip_gen: v7x
topology: tpu7x:2x2x1
jax: 0.10.2.dev20260603
libtpu: 0.0.44.dev20260713+nightly
codegen_flags: <defaults>
</compile_context>

<pallas_src>
import functools

import jax
import jax.numpy as jnp
from jax import lax
from jax.experimental import pallas as pl
from jax.experimental.pallas import tpu as pltpu
from jax.experimental.pallas import tpu_sc as plsc

N = 10000
E = 320000
D = 128
R = 4

NC = 2
NS = 16
L = 16
NW = NC * NS
CH = 128
NCHUNK = E // CH
NJ = -(-NCHUNK // NW)
NJP = 2 * (-(-NJ // 2))
BLK = 80
NBLK = N // BLK
NT = -(-NBLK // NS)


def _relmm(x, rel_weight):
    BN = 1000

    def body(x_ref, w_ref, o_ref):
        xb = x_ref[...]
        for r in range(R):
            o_ref[r] = jnp.dot(xb, w_ref[r],
                               preferred_element_type=jnp.float32)

    return pl.pallas_call(
        body,
        grid=(N // BN,),
        in_specs=[
            pl.BlockSpec((BN, D), lambda i: (i, 0)),
            pl.BlockSpec((R, D, D), lambda i: (0, 0, 0)),
        ],
        out_specs=pl.BlockSpec((R, BN, D), lambda i: (0, i, 0)),
        out_shape=jax.ShapeDtypeStruct((R, N, D), jnp.float32),
    )(x, rel_weight)


def _sc_agg(xw, ei, et):
    mesh = plsc.VectorSubcoreMesh(core_axis_name="c", subcore_axis_name="s")

    @functools.partial(
        pl.kernel,
        mesh=mesh,
        out_type=jax.ShapeDtypeStruct((NC, N, D), jnp.float32),
        scratch_types=[
            pltpu.VMEM((CH,), jnp.int32),
            pltpu.VMEM((CH,), jnp.int32),
            pltpu.VMEM((CH,), jnp.int32),
            pltpu.VMEM((CH,), jnp.int32),
            pltpu.VMEM((CH,), jnp.int32),
            pltpu.VMEM((CH,), jnp.int32),
            pltpu.VMEM((CH,), jnp.int32),
            pltpu.VMEM((CH,), jnp.int32),
            pltpu.VMEM((CH,), jnp.int32),
            pltpu.VMEM((CH,), jnp.int32),
            pltpu.VMEM((CH, D), jnp.float32),
            pltpu.VMEM((CH, D), jnp.float32),
            pltpu.VMEM_SHARED((N, D), jnp.float32),
            pltpu.SemaphoreType.DMA,
            pltpu.SemaphoreType.DMA,
            pltpu.SemaphoreType.DMA,
        ],
    )
    def k(xw_hbm, ei_hbm, et_hbm, out_hbm,
          srcA, srcB, etA, etB, drwA, drwB, gixA, gixB, dstA, dstB,
          rowA, rowB, agg_sh, isem, gsem, ssem):
        c = lax.axis_index("c")
        s = lax.axis_index("s")
        wid = s * NC + c
        stage_v = rowA.at[pl.ds(0, BLK)]

        z16 = jnp.zeros((L,), jnp.float32)

        def zrow(i, carry):
            for j in range(D // L):
                rowA[i, pl.ds(j * L, L)] = z16
            return carry

        lax.fori_loop(0, BLK, zrow, 0)
        for t in range(NT):
            b = t * NS + s

            @pl.when(b < NBLK)
            def _():
                pltpu.sync_copy(stage_v, agg_sh.at[pl.ds(b * BLK, BLK)])

        plsc.subcore_barrier()

        def build(src_v, et_v, drw_v, gix_v, dst_v):
            for i in range(CH // L):
                sl = pl.ds(i * L, L)
                gix_v[sl] = et_v[sl] * N + src_v[sl]
                dst_v[sl] = drw_v[sl]

        def fetch_idx(cid, src_v, et_v, drw_v):
            base = cid * CH
            pltpu.async_copy(ei_hbm.at[pl.ds(base, CH)], src_v, isem)
            pltpu.async_copy(et_hbm.at[pl.ds(base, CH)], et_v, isem)
            pltpu.async_copy(ei_hbm.at[pl.ds(E + base, CH)], drw_v, isem)

        def drain_idx(src_v, et_v, drw_v):
            pltpu.make_async_copy(ei_hbm.at[pl.ds(0, CH)], src_v, isem).wait()
            pltpu.make_async_copy(et_hbm.at[pl.ds(0, CH)], et_v, isem).wait()
            pltpu.make_async_copy(ei_hbm.at[pl.ds(0, CH)], drw_v, isem).wait()

        fetch_idx(wid, srcA, etA, drwA)
        drain_idx(srcA, etA, drwA)
        build(srcA, etA, drwA, gixA, dstA)
        pltpu.async_copy(xw_hbm.at[gixA], rowA, gsem)
        fetch_idx(wid + NW, srcB, etB, drwB)

        def half(j, cur):
            src_c, et_c, drw_c, gix_c, dst_c, row_c = (
                (srcA, etA, drwA, gixA, dstA, rowA) if cur == 0
                else (srcB, etB, drwB, gixB, dstB, rowB))
            src_n, et_n, drw_n, gix_n, dst_n, row_n = (
                (srcB, etB, drwB, gixB, dstB, rowB) if cur == 0
                else (srcA, etA, drwA, gixA, dstA, rowA))
            cid0 = wid + j * NW
            cid1 = wid + (j + 1) * NW
            cid2 = wid + (j + 2) * NW

            @pl.when((j >= 1) & (wid + (j - 1) * NW < NCHUNK))
            def _():
                pltpu.make_async_copy(row_n, agg_sh.at[dst_n], ssem).wait()

            @pl.when(cid1 < NCHUNK)
            def _():
                drain_idx(src_n, et_n, drw_n)
                build(src_n, et_n, drw_n, gix_n, dst_n)

            @pl.when(cid0 < NCHUNK)
            def _():
                pltpu.make_async_copy(xw_hbm.at[gix_c], row_c, gsem).wait()
                pltpu.async_copy(row_c, agg_sh.at[dst_c], ssem, add=True)

            @pl.when(cid1 < NCHUNK)
            def _():
                pltpu.async_copy(xw_hbm.at[gix_n], row_n, gsem)

            @pl.when(cid2 < NCHUNK)
            def _():
                fetch_idx(cid2, src_c, et_c, drw_c)

        def body(jj, carry):
            half(2 * jj, 0)
            half(2 * jj + 1, 1)
            return carry

        lax.fori_loop(0, NJP // 2, body, 0)
        plsc.subcore_barrier()

        for t in range(NT):
            b = t * NS + s

            @pl.when(b < NBLK)
            def _():
                r0 = b * BLK
                pltpu.sync_copy(agg_sh.at[pl.ds(r0, BLK)],
                                out_hbm.at[c, pl.ds(r0, BLK)])

    return k(xw, ei, et)


def _mlp(x, partials, lw, rb, w1xt, w1mt, b1, w2xt, w2mt, b2):
    BN = 1000

    def body(x_ref, p_ref, lw_ref, rb_ref, w1x_ref, w1m_ref, b1_ref,
             w2x_ref, w2m_ref, b2_ref, o_ref):
        xb = x_ref[...]
        msg = (p_ref[0] + p_ref[1]
               + jnp.dot(xb, lw_ref[...], preferred_element_type=jnp.float32)
               + rb_ref[...])
        h = (jnp.dot(xb, w1x_ref[...], preferred_element_type=jnp.float32)
             + jnp.dot(msg, w1m_ref[...], preferred_element_type=jnp.float32)
             + b1_ref[...])
        mid = jnp.tanh(h)
        o_ref[...] = (jnp.dot(xb, w2x_ref[...], preferred_element_type=jnp.float32)
                      + jnp.dot(mid, w2m_ref[...], preferred_element_type=jnp.float32)
                      + b2_ref[...])

    return pl.pallas_call(
        body,
        grid=(N // BN,),
        in_specs=[
            pl.BlockSpec((BN, D), lambda i: (i, 0)),
            pl.BlockSpec((NC, BN, D), lambda i: (0, i, 0)),
            pl.BlockSpec((D, D), lambda i: (0, 0)),
            pl.BlockSpec((1, D), lambda i: (0, 0)),
            pl.BlockSpec((D, 2 * D), lambda i: (0, 0)),
            pl.BlockSpec((D, 2 * D), lambda i: (0, 0)),
            pl.BlockSpec((1, 2 * D), lambda i: (0, 0)),
            pl.BlockSpec((D, D), lambda i: (0, 0)),
            pl.BlockSpec((2 * D, D), lambda i: (0, 0)),
            pl.BlockSpec((1, D), lambda i: (0, 0)),
        ],
        out_specs=pl.BlockSpec((BN, D), lambda i: (i, 0)),
        out_shape=jax.ShapeDtypeStruct((N, D), jnp.float32),
    )(x, partials, lw, rb.reshape(1, D), w1xt, w1mt, b1.reshape(1, 2 * D),
      w2xt, w2mt, b2.reshape(1, D))


def kernel(x, edge_index, edges_type, is_block, rel_weight, loop_weight,
           rel_bias, W1, b1, W2, b2):
    del is_block
    ei = edge_index.astype(jnp.int32).reshape(2 * E)
    et = edges_type.astype(jnp.int32)
    xw = _relmm(x, rel_weight).reshape(R * N, D)
    partials = _sc_agg(xw, ei, et)
    w1xt = W1[:, :D].T
    w1mt = W1[:, D:].T
    w2xt = W2[:, :D].T
    w2mt = W2[:, D:].T
    return _mlp(x, partials, loop_weight, rel_bias, w1xt, w1mt, b1,
                w2xt, w2mt, b2)

# --- scband reference (transcript-rebuilt; emitter-appended) ---
"""Pipeline reference for scband-gcnconv-18957985644925 (READ-ONLY COPY).

The authoritative reference and input builder live on the scoring server;
editing this copy changes nothing except your own understanding.
"""

import jax, jax.numpy as jnp
import numpy as np

N = 10000
E = 320000
D_IN = 128
D_HID = 128
D_OUT = 128
R = 4


def setup_inputs(seed: int = 0) -> dict:
    key = jax.random.key(seed)
    ks = jax.random.split(key, 10)
    x = jax.random.normal(ks[0], (N, D_IN), dtype=jnp.float32)
    edge_index = jax.random.randint(ks[1], (2, E), 0, N, dtype=jnp.int64)
    edges_type = jax.random.randint(ks[2], (E,), 0, R, dtype=jnp.int64)
    is_block = 0
    # RelGraphConv params (low_mem, regularizer=None, self_loop=True, bias=True)
    s_rel = 1.0 / np.sqrt(D_IN)
    rel_weight = jax.random.uniform(ks[3], (R, D_IN, D_OUT), jnp.float32, -s_rel, s_rel)
    loop_weight = jax.random.uniform(ks[4], (D_IN, D_OUT), jnp.float32, -s_rel, s_rel)
    rel_bias = jnp.zeros((D_OUT,), jnp.float32)
    # updating1: Linear(in_channels + hidden, 2*hidden)
    s1 = 1.0 / np.sqrt(D_IN + D_HID)
    W1 = jax.random.uniform(ks[5], (2 * D_HID, D_IN + D_HID), jnp.float32, -s1, s1)
    b1 = jax.random.uniform(ks[6], (2 * D_HID,), jnp.float32, -s1, s1)
    # updating2: Linear(in_channels + 2*hidden, out_channels)
    s2 = 1.0 / np.sqrt(D_IN + 2 * D_HID)
    W2 = jax.random.uniform(ks[7], (D_OUT, D_IN + 2 * D_HID), jnp.float32, -s2, s2)
    b2 = jax.random.uniform(ks[8], (D_OUT,), jnp.float32, -s2, s2)
    return {"x": x, "edge_index": edge_index, "edges_type": edges_type,
            "is_block": is_block, "rel_weight": rel_weight, "loop_weight": loop_weight,
            "rel_bias": rel_bias, "W1": W1, "b1": b1, "W2": W2, "b2": b2}


def reference(x, edge_index, edges_type, is_block, rel_weight, loop_weight, rel_bias, W1, b1, W2, b2):
    src = edge_index[0]
    dst = edge_index[1]
    # RelGraphConv low_mem: transform features per relation, then gather per edge
    xw = jnp.einsum('nd,rdo->rno', x, rel_weight)           # [R, N, D_OUT]
    per_edge_msg = xw[edges_type, src]                       # gather [E, D_OUT]
    agg = jax.ops.segment_sum(per_edge_msg, dst, num_segments=x.shape[0])
    msg = agg + x @ loop_weight + rel_bias                   # self-loop + bias
    # is_block == 0 -> dst_x = x
    dst_x = x
    mid = jnp.tanh(jnp.concatenate([dst_x, msg], axis=1) @ W1.T + b1)
    out = jnp.concatenate([dst_x, mid], axis=1) @ W2.T + b2
    return out

if __name__ == "__main__":
    import jax
    _d = setup_inputs()
    print(jax.jit(kernel)(*tuple(_d.values())))

</pallas_src>

<mosaic_0001>
#map = affine_map<(d0, d1) -> (0, 0)>
#map1 = affine_map<(d0, d1) -> (0)>
#map2 = affine_map<(d0, d1) -> (0, 0, 0)>
module attributes {stable_mosaic.version = 14 : i64} {
  func.func @k(%arg0: i32, %arg1: i32, %arg2: memref<40000x128xf32, #tpu.memory_space<hbm>>, %arg3: memref<640000xi32, #tpu.memory_space<hbm>>, %arg4: memref<320000xi32, #tpu.memory_space<hbm>>, %arg5: memref<2x10000x128xf32, #tpu.memory_space<hbm>>, %arg6: memref<128xi32, #tpu.memory_space<vmem>>, %arg7: memref<128xi32, #tpu.memory_space<vmem>>, %arg8: memref<128xi32, #tpu.memory_space<vmem>>, %arg9: memref<128xi32, #tpu.memory_space<vmem>>, %arg10: memref<128xi32, #tpu.memory_space<vmem>>, %arg11: memref<128xi32, #tpu.memory_space<vmem>>, %arg12: memref<128xi32, #tpu.memory_space<vmem>>, %arg13: memref<128xi32, #tpu.memory_space<vmem>>, %arg14: memref<128xi32, #tpu.memory_space<vmem>>, %arg15: memref<128xi32, #tpu.memory_space<vmem>>, %arg16: memref<128x128xf32, #tpu.memory_space<vmem>>, %arg17: memref<128x128xf32, #tpu.memory_space<vmem>>, %arg18: memref<10000x128xf32, #tpu.memory_space<vmem_shared>>, %arg19: memref<!tpu.dma_semaphore, #tpu.memory_space<semaphore_mem>>, %arg20: memref<!tpu.dma_semaphore, #tpu.memory_space<semaphore_mem>>, %arg21: memref<!tpu.dma_semaphore, #tpu.memory_space<semaphore_mem>>) attributes {dimension_semantics = [#tpu.dimension_semantics<core_parallel>, #tpu.dimension_semantics<subcore_parallel>], iteration_bounds = array<i64: 2, 16>, scalar_prefetch = 0 : i64, scratch_operands = 16 : i64, tpu.core_type = #tpu.core_type<sc_vector_subcore>, window_params = [{transform_indices = #map}, {transform_indices = #map1}, {transform_indices = #map1}, {transform_indices = #map2}]} {
    %mul3A = arith.constant 2 : i32
    %mul3A_0 = arith.muli %arg1, %mul3A : i32
    %add3A = arith.addi %mul3A_0, %arg0 : i32
    %broadcast_in_dim3A = arith.constant 0.000000e+00 : f32
    %broadcast_in_dim3A_1 = vector.broadcast %broadcast_in_dim3A : f32 to vector<16xf32>
    %scan3A = arith.constant 0 : i32
    %scan3A_2 = arith.constant 0 : i32
    %scan3A_3 = arith.constant 80 : i32
    %scan3A_4 = arith.addi %scan3A_2, %scan3A_3 : i32
    %scan3A_5 = arith.constant 1 : i32
    scf.for %scan3A_324 = %scan3A_2 to %scan3A_4 step %scan3A_5  : i32 {
      %swap3A_325 = arith.index_cast %scan3A_324 : i32 to index
      %swap3A_326 = arith.constant 0 : index
      %swap3A_327 = tpu.vector_load %arg16[%swap3A_325, %swap3A_326] {strides = array<i32>} : memref<128x128xf32, #tpu.memory_space<vmem>>, vector<1x16xf32>,
      %swap3A_328 = vector.shape_cast %swap3A_327 : vector<1x16xf32> to vector<16xf32>
      %swap3A_329 = vector.shape_cast %broadcast_in_dim3A_1 : vector<16xf32> to vector<1x16xf32>
      tpu.vector_store %arg16[%swap3A_325, %swap3A_326], %swap3A_329 {strides = array<i32>} : memref<128x128xf32, #tpu.memory_space<vmem>>, vector<1x16xf32>,
      %swap3A_330 = arith.index_cast %scan3A_324 : i32 to index
      %swap3A_331 = arith.constant 16 : index
      %swap3A_332 = tpu.vector_load %arg16[%swap3A_330, %swap3A_331] {strides = array<i32>} : memref<128x128xf32, #tpu.memory_space<vmem>>, vector<1x16xf32>,
      %swap3A_333 = vector.shape_cast %swap3A_332 : vector<1x16xf32> to vector<16xf32>
      %swap3A_334 = vector.shape_cast %broadcast_in_dim3A_1 : vector<16xf32> to vector<1x16xf32>
      tpu.vector_store %arg16[%swap3A_330, %swap3A_331], %swap3A_334 {strides = array<i32>} : memref<128x128xf32, #tpu.memory_space<vmem>>, vector<1x16xf32>,
      %swap3A_335 = arith.index_cast %scan3A_324 : i32 to index
      %swap3A_336 = arith.constant 32 : index
      %swap3A_337 = tpu.vector_load %arg16[%swap3A_335, %swap3A_336] {strides = array<i32>} : memref<128x128xf32, #tpu.memory_space<vmem>>, vector<1x16xf32>,
      %swap3A_338 = vector.shape_cast %swap3A_337 : vector<1x16xf32> to vector<16xf32>
      %swap3A_339 = vector.shape_cast %broadcast_in_dim3A_1 : vector<16xf32> to vector<1x16xf32>
      tpu.vector_store %arg16[%swap3A_335, %swap3A_336], %swap3A_339 {strides = array<i32>} : memref<128x128xf32, #tpu.memory_space<vmem>>, vector<1x16xf32>,
      %swap3A_340 = arith.index_cast %scan3A_324 : i32 to index
      %swap3A_341 = arith.constant 48 : index
      %swap3A_342 = tpu.vector_load %arg16[%swap3A_340, %swap3A_341] {strides = array<i32>} : memref<128x128xf32, #tpu.memory_space<vmem>>, vector<1x16xf32>,
      %swap3A_343 = vector.shape_cast %swap3A_342 : vector<1x16xf32> to vector<16xf32>
      %swap3A_344 = vector.shape_cast %broadcast_in_dim3A_1 : vector<16xf32> to vector<1x16xf32>
      tpu.vector_store %arg16[%swap3A_340, %swap3A_341], %swap3A_344 {strides = array<i32>} : memref<128x128xf32, #tpu.memory_space<vmem>>, vector<1x16xf32>,
      %swap3A_345 = arith.index_cast %scan3A_324 : i32 to index
      %swap3A_346 = arith.constant 64 : index
      %swap3A_347 = tpu.vector_load %arg16[%swap3A_345, %swap3A_346] {strides = array<i32>} : memref<128x128xf32, #tpu.memory_space<vmem>>, vector<1x16xf32>,
      %swap3A_348 = vector.shape_cast %swap3A_347 : vector<1x16xf32> to vector<16xf32>
      %swap3A_349 = vector.shape_cast %broadcast_in_dim3A_1 : vector<16xf32> to vector<1x16xf32>
      tpu.vector_store %arg16[%swap3A_345, %swap3A_346], %swap3A_349 {strides = array<i32>} : memref<128x128xf32, #tpu.memory_space<vmem>>, vector<1x16xf32>,
      %swap3A_350 = arith.index_cast %scan3A_324 : i32 to index
      %swap3A_351 = arith.constant 80 : index
      %swap3A_352 = tpu.vector_load %arg16[%swap3A_350, %swap3A_351] {strides = array<i32>} : memref<128x128xf32, #tpu.memory_space<vmem>>, vector<1x16xf32>,
      %swap3A_353 = vector.shape_cast %swap3A_352 : vector<1x16xf32> to vector<16xf32>
      %swap3A_354 = vector.shape_cast %broadcast_in_dim3A_1 : vector<16xf32> to vector<1x16xf32>
      tpu.vector_store %arg16[%swap3A_350, %swap3A_351], %swap3A_354 {strides = array<i32>} : memref<128x128xf32, #tpu.memory_space<vmem>>, vector<1x16xf32>,
      %swap3A_355 = arith.index_cast %scan3A_324 : i32 to index
      %swap3A_356 = arith.constant 96 : index
      %swap3A_357 = tpu.vector_load %arg16[%swap3A_355, %swap3A_356] {strides = array<i32>} : memref<128x128xf32, #tpu.memory_space<vmem>>, vector<1x16xf32>,
      %swap3A_358 = vector.shape_cast %swap3A_357 : vector<1x16xf32> to vector<16xf32>
      %swap3A_359 = vector.shape_cast %broadcast_in_dim3A_1 : vector<16xf32> to vector<1x16xf32>
      tpu.vector_store %arg16[%swap3A_355, %swap3A_356], %swap3A_359 {strides = array<i32>} : memref<128x128xf32, #tpu.memory_space<vmem>>, vector<1x16xf32>,
      %swap3A_360 = arith.index_cast %scan3A_324 : i32 to index
      %swap3A_361 = arith.constant 112 : index
      %swap3A_362 = tpu.vector_load %arg16[%swap3A_360, %swap3A_361] {strides = array<i32>} : memref<128x128xf32, #tpu.memory_space<vmem>>, vector<1x16xf32>,
      %swap3A_363 = vector.shape_cast %swap3A_362 : vector<1x16xf32> to vector<16xf32>
      %swap3A_364 = vector.shape_cast %broadcast_in_dim3A_1 : vector<16xf32> to vector<1x16xf32>
      tpu.vector_store %arg16[%swap3A_360, %swap3A_361], %swap3A_364 {strides = array<i32>} : memref<128x128xf32, #tpu.memory_space<vmem>>, vector<1x16xf32>,
    }
    %scan3A_6 = arith.constant 80 : i32
    %add3A_7 = arith.constant 0 : i32
    %add3A_8 = arith.addi %add3A_7, %arg1 : i32
    %lt3A = arith.constant 125 : i32
    %lt3A_9 = arith.cmpi slt, %add3A_8, %lt3A : i32
    %convert_element_type3A = arith.extui %lt3A_9 : i1 to i32
    %cond3A = arith.constant 0 : i32
    %cond3A_10 = arith.cmpi ne, %convert_element_type3A, %cond3A : i32
    scf.if %cond3A_10 {
      %mul3A_324 = arith.constant 80 : i32
      %mul3A_325 = arith.muli %add3A_8, %mul3A_324 : i32
      "tpu.region"() ({
        %run_scoped3A = tpu.sem_alloc : memref<!tpu.dma_semaphore, #tpu.memory_space<semaphore_mem>>
        %dma_start3A_326 = arith.constant 0 : i32
        %dma_start3A_327 = arith.constant 0 : i32
        %dma_start3A_328 = tpu.memref_slice %arg16[%dma_start3A_326, %dma_start3A_327] : memref<128x128xf32, #tpu.memory_space<vmem>> -> memref<80x128xf32, #tpu.memory_space<vmem>>
        %dma_start3A_329 = arith.constant 0 : i32
        %dma_start3A_330 = tpu.memref_slice %arg18[%mul3A_325, %dma_start3A_329] : memref<10000x128xf32, #tpu.memory_space<vmem_shared>> -> memref<80x128xf32, #tpu.memory_space<vmem_shared>>
        %dma_start3A_331 = arith.constant 0 : i32
        %dma_start3A_332 = tpu.memref_slice %arg18[%mul3A_325, %dma_start3A_331] : memref<10000x128xf32, #tpu.memory_space<vmem_shared>> -> memref<80x128xf32, #tpu.memory_space<vmem_shared>>
        %dma_start3A_333 = arith.constant 0 : i32
        %dma_start3A_334 = arith.constant 0 : i32
        %dma_start3A_335 = tpu.memref_slice %arg16[%dma_start3A_333, %dma_start3A_334] : memref<128x128xf32, #tpu.memory_space<vmem>> -> memref<80x128xf32, #tpu.memory_space<vmem>>
        tpu.enqueue_dma source(%dma_start3A_335 : memref<80x128xf32, #tpu.memory_space<vmem>>) target(%dma_start3A_332 : memref<80x128xf32, #tpu.memory_space<vmem_shared>>) target_semaphore(%run_scoped3A : memref<!tpu.dma_semaphore, #tpu.memory_space<semaphore_mem>>)
        %dma_wait3A_336 = arith.constant 0 : i32
        %dma_wait3A_337 = arith.constant 0 : i32
        %dma_wait3A_338 = tpu.memref_slice %arg16[%dma_wait3A_336, %dma_wait3A_337] : memref<128x128xf32, #tpu.memory_space<vmem>> -> memref<80x128xf32, #tpu.memory_space<vmem>>
        %dma_wait3A_339 = arith.constant 0 : i32
        %dma_wait3A_340 = tpu.memref_slice %arg18[%mul3A_325, %dma_wait3A_339] : memref<10000x128xf32, #tpu.memory_space<vmem_shared>> -> memref<80x128xf32, #tpu.memory_space<vmem_shared>>
        %dma_wait3A_341 = arith.constant 0 : i32
        %dma_wait3A_342 = tpu.memref_slice %arg18[%mul3A_325, %dma_wait3A_341] : memref<10000x128xf32, #tpu.memory_space<vmem_shared>> -> memref<80x128xf32, #tpu.memory_space<vmem_shared>>
        %dma_wait3A_343 = arith.constant 0 : i32
        %dma_wait3A_344 = arith.constant 0 : i32
        %dma_wait3A_345 = tpu.memref_slice %arg16[%dma_wait3A_343, %dma_wait3A_344] : memref<128x128xf32, #tpu.memory_space<vmem>> -> memref<80x128xf32, #tpu.memory_space<vmem>>
        tpu.wait_dma2 semaphore(%run_scoped3A : memref<!tpu.dma_semaphore, #tpu.memory_space<semaphore_mem>>) src(%dma_wait3A_345 : memref<80x128xf32, #tpu.memory_space<vmem>>) dst(%dma_wait3A_342 : memref<80x128xf32, #tpu.memory_space<vmem_shared>>)
        tpu.yield
      }) : () -> ()
    } else {
    }
    %add3A_11 = arith.constant 16 : i32
    %add3A_12 = arith.addi %add3A_11, %arg1 : i32
    %lt3A_13 = arith.constant 125 : i32
    %lt3A_14 = arith.cmpi slt, %add3A_12, %lt3A_13 : i32
    %convert_element_type3A_15 = arith.extui %lt3A_14 : i1 to i32
    %cond3A_16 = arith.constant 0 : i32
    %cond3A_17 = arith.cmpi ne, %convert_element_type3A_15, %cond3A_16 : i32
    scf.if %cond3A_17 {
      %mul3A_324 = arith.constant 80 : i32
      %mul3A_325 = arith.muli %add3A_12, %mul3A_324 : i32
      "tpu.region"() ({
        %run_scoped3A = tpu.sem_alloc : memref<!tpu.dma_semaphore, #tpu.memory_space<semaphore_mem>>
        %dma_start3A_326 = arith.constant 0 : i32
        %dma_start3A_327 = arith.constant 0 : i32
        %dma_start3A_328 = tpu.memref_slice %arg16[%dma_start3A_326, %dma_start3A_327] : memref<128x128xf32, #tpu.memory_space<vmem>> -> memref<80x128xf32, #tpu.memory_space<vmem>>
        %dma_start3A_329 = arith.constant 0 : i32
        %dma_start3A_330 = tpu.memref_slice %arg18[%mul3A_325, %dma_start3A_329] : memref<10000x128xf32, #tpu.memory_space<vmem_shared>> -> memref<80x128xf32, #tpu.memory_space<vmem_shared>>
        %dma_start3A_331 = arith.constant 0 : i32
        %dma_start3A_332 = tpu.memref_slice %arg18[%mul3A_325, %dma_start3A_331] : memref<10000x128xf32, #tpu.memory_space<vmem_shared>> -> memref<80x128xf32, #tpu.memory_space<vmem_shared>>
        %dma_start3A_333 = arith.constant 0 : i32
        %dma_start3A_334 = arith.constant 0 : i32
        %dma_start3A_335 = tpu.memref_slice %arg16[%dma_start3A_333, %dma_start3A_334] : memref<128x128xf32, #tpu.memory_space<vmem>> -> memref<80x128xf32, #tpu.memory_space<vmem>>
        tpu.enqueue_dma source(%dma_start3A_335 : memref<80x128xf32, #tpu.memory_space<vmem>>) target(%dma_start3A_332 : memref<80x128xf32, #tpu.memory_space<vmem_shared>>) target_semaphore(%run_scoped3A : memref<!tpu.dma_semaphore, #tpu.memory_space<semaphore_mem>>)
        %dma_wait3A_336 = arith.constant 0 : i32
        %dma_wait3A_337 = arith.constant 0 : i32
        %dma_wait3A_338 = tpu.memref_slice %arg16[%dma_wait3A_336, %dma_wait3A_337] : memref<128x128xf32, #tpu.memory_space<vmem>> -> memref<80x128xf32, #tpu.memory_space<vmem>>
        %dma_wait3A_339 = arith.constant 0 : i32
        %dma_wait3A_340 = tpu.memref_slice %arg18[%mul3A_325, %dma_wait3A_339] : memref<10000x128xf32, #tpu.memory_space<vmem_shared>> -> memref<80x128xf32, #tpu.memory_space<vmem_shared>>
        %dma_wait3A_341 = arith.constant 0 : i32
        %dma_wait3A_342 = tpu.memref_slice %arg18[%mul3A_325, %dma_wait3A_341] : memref<10000x128xf32, #tpu.memory_space<vmem_shared>> -> memref<80x128xf32, #tpu.memory_space<vmem_shared>>
        %dma_wait3A_343 = arith.constant 0 : i32
        %dma_wait3A_344 = arith.constant 0 : i32
        %dma_wait3A_345 = tpu.memref_slice %arg16[%dma_wait3A_343, %dma_wait3A_344] : memref<128x128xf32, #tpu.memory_space<vmem>> -> memref<80x128xf32, #tpu.memory_space<vmem>>
        tpu.wait_dma2 semaphore(%run_scoped3A : memref<!tpu.dma_semaphore, #tpu.memory_space<semaphore_mem>>) src(%dma_wait3A_345 : memref<80x128xf32, #tpu.memory_space<vmem>>) dst(%dma_wait3A_342 : memref<80x128xf32, #tpu.memory_space<vmem_shared>>)
        tpu.yield
      }) : () -> ()
    } else {
    }
    %add3A_18 = arith.constant 32 : i32
    %add3A_19 = arith.addi %add3A_18, %arg1 : i32
    %lt3A_20 = arith.constant 125 : i32
    %lt3A_21 = arith.cmpi slt, %add3A_19, %lt3A_20 : i32
    %convert_element_type3A_22 = arith.extui %lt3A_21 : i1 to i32
    %cond3A_23 = arith.constant 0 : i32
    %cond3A_24 = arith.cmpi ne, %convert_element_type3A_22, %cond3A_23 : i32
    scf.if %cond3A_24 {
      %mul3A_324 = arith.constant 80 : i32
      %mul3A_325 = arith.muli %add3A_19, %mul3A_324 : i32
      "tpu.region"() ({
        %run_scoped3A = tpu.sem_alloc : memref<!tpu.dma_semaphore, #tpu.memory_space<semaphore_mem>>
        %dma_start3A_326 = arith.constant 0 : i32
        %dma_start3A_327 = arith.constant 0 : i32
        %dma_start3A_328 = tpu.memref_slice %arg16[%dma_start3A_326, %dma_start3A_327] : memref<128x128xf32, #tpu.memory_space<vmem>> -> memref<80x128xf32, #tpu.memory_space<vmem>>
        %dma_start3A_329 = arith.constant 0 : i32
        %dma_start3A_330 = tpu.memref_slice %arg18[%mul3A_325, %dma_start3A_329] : memref<10000x128xf32, #tpu.memory_space<vmem_shared>> -> memref<80x128xf32, #tpu.memory_space<vmem_shared>>
        %dma_start3A_331 = arith.constant 0 : i32
        %dma_start3A_332 = tpu.memref_slice %arg18[%mul3A_325, %dma_start3A_331] : memref<10000x128xf32, #tpu.memory_space<vmem_shared>> -> memref<80x128xf32, #tpu.memory_space<vmem_shared>>
        %dma_start3A_333 = arith.constant 0 : i32
        %dma_start3A_334 = arith.constant 0 : i32
        %dma_start3A_335 = tpu.memref_slice %arg16[%dma_start3A_333, %dma_start3A_334] : memref<128x128xf32, #tpu.memory_space<vmem>> -> memref<80x128xf32, #tpu.memory_space<vmem>>
        tpu.enqueue_dma source(%dma_start3A_335 : memref<80x128xf32, #tpu.memory_space<vmem>>) target(%dma_start3A_332 : memref<80x128xf32, #tpu.memory_space<vmem_shared>>) target_semaphore(%run_scoped3A : memref<!tpu.dma_semaphore, #tpu.memory_space<semaphore_mem>>)
        %dma_wait3A_336 = arith.constant 0 : i32
        %dma_wait3A_337 = arith.constant 0 : i32
        %dma_wait3A_338 = tpu.memref_slice %arg16[%dma_wait3A_336, %dma_wait3A_337] : memref<128x128xf32, #tpu.memory_space<vmem>> -> memref<80x128xf32, #tpu.memory_space<vmem>>
        %dma_wait3A_339 = arith.constant 0 : i32
        %dma_wait3A_340 = tpu.memref_slice %arg18[%mul3A_325, %dma_wait3A_339] : memref<10000x128xf32, #tpu.memory_space<vmem_shared>> -> memref<80x128xf32, #tpu.memory_space<vmem_shared>>
        %dma_wait3A_341 = arith.constant 0 : i32
        %dma_wait3A_342 = tpu.memref_slice %arg18[%mul3A_325, %dma_wait3A_341] : memref<10000x128xf32, #tpu.memory_space<vmem_shared>> -> memref<80x128xf32, #tpu.memory_space<vmem_shared>>
        %dma_wait3A_343 = arith.constant 0 : i32
        %dma_wait3A_344 = arith.constant 0 : i32
        %dma_wait3A_345 = tpu.memref_slice %arg16[%dma_wait3A_343, %dma_wait3A_344] : memref<128x128xf32, #tpu.memory_space<vmem>> -> memref<80x128xf32, #tpu.memory_space<vmem>>
        tpu.wait_dma2 semaphore(%run_scoped3A : memref<!tpu.dma_semaphore, #tpu.memory_space<semaphore_mem>>) src(%dma_wait3A_345 : memref<80x128xf32, #tpu.memory_space<vmem>>) dst(%dma_wait3A_342 : memref<80x128xf32, #tpu.memory_space<vmem_shared>>)
        tpu.yield
      }) : () -> ()
    } else {
    }
    %add3A_25 = arith.constant 48 : i32
    %add3A_26 = arith.addi %add3A_25, %arg1 : i32
    %lt3A_27 = arith.constant 125 : i32
    %lt3A_28 = arith.cmpi slt, %add3A_26, %lt3A_27 : i32
    %convert_element_type3A_29 = arith.extui %lt3A_28 : i1 to i32
    %cond3A_30 = arith.constant 0 : i32
    %cond3A_31 = arith.cmpi ne, %convert_element_type3A_29, %cond3A_30 : i32
    scf.if %cond3A_31 {
      %mul3A_324 = arith.constant 80 : i32
      %mul3A_325 = arith.muli %add3A_26, %mul3A_324 : i32
      "tpu.region"() ({
        %run_scoped3A = tpu.sem_alloc : memref<!tpu.dma_semaphore, #tpu.memory_space<semaphore_mem>>
        %dma_start3A_326 = arith.constant 0 : i32
        %dma_start3A_327 = arith.constant 0 : i32
        %dma_start3A_328 = tpu.memref_slice %arg16[%dma_start3A_326, %dma_start3A_327] : memref<128x128xf32, #tpu.memory_space<vmem>> -> memref<80x128xf32, #tpu.memory_space<vmem>>
        %dma_start3A_329 = arith.constant 0 : i32
        %dma_start3A_330 = tpu.memref_slice %arg18[%mul3A_325, %dma_start3A_329] : memref<10000x128xf32, #tpu.memory_space<vmem_shared>> -> memref<80x128xf32, #tpu.memory_space<vmem_shared>>
        %dma_start3A_331 = arith.constant 0 : i32
        %dma_start3A_332 = tpu.memref_slice %arg18[%mul3A_325, %dma_start3A_331] : memref<10000x128xf32, #tpu.memory_space<vmem_shared>> -> memref<80x128xf32, #tpu.memory_space<vmem_shared>>
        %dma_start3A_333 = arith.constant 0 : i32
        %dma_start3A_334 = arith.constant 0 : i32
        %dma_start3A_335 = tpu.memref_slice %arg16[%dma_start3A_333, %dma_start3A_334] : memref<128x128xf32, #tpu.memory_space<vmem>> -> memref<80x128xf32, #tpu.memory_space<vmem>>
        tpu.enqueue_dma source(%dma_start3A_335 : memref<80x128xf32, #tpu.memory_space<vmem>>) target(%dma_start3A_332 : memref<80x128xf32, #tpu.memory_space<vmem_shared>>) target_semaphore(%run_scoped3A : memref<!tpu.dma_semaphore, #tpu.memory_space<semaphore_mem>>)
        %dma_wait3A_336 = arith.constant 0 : i32
        %dma_wait3A_337 = arith.constant 0 : i32
        %dma_wait3A_338 = tpu.memref_slice %arg16[%dma_wait3A_336, %dma_wait3A_337] : memref<128x128xf32, #tpu.memory_space<vmem>> -> memref<80x128xf32, #tpu.memory_space<vmem>>
        %dma_wait3A_339 = arith.constant 0 : i32
        %dma_wait3A_340 = tpu.memref_slice %arg18[%mul3A_325, %dma_wait3A_339] : memref<10000x128xf32, #tpu.memory_space<vmem_shared>> -> memref<80x128xf32, #tpu.memory_space<vmem_shared>>
        %dma_wait3A_341 = arith.constant 0 : i32
        %dma_wait3A_342 = tpu.memref_slice %arg18[%mul3A_325, %dma_wait3A_341] : memref<10000x128xf32, #tpu.memory_space<vmem_shared>> -> memref<80x128xf32, #tpu.memory_space<vmem_shared>>
        %dma_wait3A_343 = arith.constant 0 : i32
        %dma_wait3A_344 = arith.constant 0 : i32
        %dma_wait3A_345 = tpu.memref_slice %arg16[%dma_wait3A_343, %dma_wait3A_344] : memref<128x128xf32, #tpu.memory_space<vmem>> -> memref<80x128xf32, #tpu.memory_space<vmem>>
        tpu.wait_dma2 semaphore(%run_scoped3A : memref<!tpu.dma_semaphore, #tpu.memory_space<semaphore_mem>>) src(%dma_wait3A_345 : memref<80x128xf32, #tpu.memory_space<vmem>>) dst(%dma_wait3A_342 : memref<80x128xf32, #tpu.memory_space<vmem_shared>>)
        tpu.yield
      }) : () -> ()
    } else {
    }
    %add3A_32 = arith.constant 64 : i32
    %add3A_33 = arith.addi %add3A_32, %arg1 : i32
    %lt3A_34 = arith.constant 125 : i32
    %lt3A_35 = arith.cmpi slt, %add3A_33, %lt3A_34 : i32
    %convert_element_type3A_36 = arith.extui %lt3A_35 : i1 to i32
    %cond3A_37 = arith.constant 0 : i32
    %cond3A_38 = arith.cmpi ne, %convert_element_type3A_36, %cond3A_37 : i32
    scf.if %cond3A_38 {
      %mul3A_324 = arith.constant 80 : i32
      %mul3A_325 = arith.muli %add3A_33, %mul3A_324 : i32
      "tpu.region"() ({
        %run_scoped3A = tpu.sem_alloc : memref<!tpu.dma_semaphore, #tpu.memory_space<semaphore_mem>>
        %dma_start3A_326 = arith.constant 0 : i32
        %dma_start3A_327 = arith.constant 0 : i32
        %dma_start3A_328 = tpu.memref_slice %arg16[%dma_start3A_326, %dma_start3A_327] : memref<128x128xf32, #tpu.memory_space<vmem>> -> memref<80x128xf32, #tpu.memory_space<vmem>>
        %dma_start3A_329 = arith.constant 0 : i32
        %dma_start3A_330 = tpu.memref_slice %arg18[%mul3A_325, %dma_start3A_329] : memref<10000x128xf32, #tpu.memory_space<vmem_shared>> -> memref<80x128xf32, #tpu.memory_space<vmem_shared>>
        %dma_start3A_331 = arith.constant 0 : i32
        %dma_start3A_332 = tpu.memref_slice %arg18[%mul3A_325, %dma_start3A_331] : memref<10000x128xf32, #tpu.memory_space<vmem_shared>> -> memref<80x128xf32, #tpu.memory_space<vmem_shared>>
        %dma_start3A_333 = arith.constant 0 : i32
        %dma_start3A_334 = arith.constant 0 : i32
        %dma_start3A_335 = tpu.memref_slice %arg16[%dma_start3A_333, %dma_start3A_334] : memref<128x128xf32, #tpu.memory_space<vmem>> -> memref<80x128xf32, #tpu.memory_space<vmem>>
        tpu.enqueue_dma source(%dma_start3A_335 : memref<80x128xf32, #tpu.memory_space<vmem>>) target(%dma_start3A_332 : memref<80x128xf32, #tpu.memory_space<vmem_shared>>) target_semaphore(%run_scoped3A : memref<!tpu.dma_semaphore, #tpu.memory_space<semaphore_mem>>)
        %dma_wait3A_336 = arith.constant 0 : i32
        %dma_wait3A_337 = arith.constant 0 : i32
        %dma_wait3A_338 = tpu.memref_slice %arg16[%dma_wait3A_336, %dma_wait3A_337] : memref<128x128xf32, #tpu.memory_space<vmem>> -> memref<80x128xf32, #tpu.memory_space<vmem>>
        %dma_wait3A_339 = arith.constant 0 : i32
        %dma_wait3A_340 = tpu.memref_slice %arg18[%mul3A_325, %dma_wait3A_339] : memref<10000x128xf32, #tpu.memory_space<vmem_shared>> -> memref<80x128xf32, #tpu.memory_space<vmem_shared>>
        %dma_wait3A_341 = arith.constant 0 : i32
        %dma_wait3A_342 = tpu.memref_slice %arg18[%mul3A_325, %dma_wait3A_341] : memref<10000x128xf32, #tpu.memory_space<vmem_shared>> -> memref<80x128xf32, #tpu.memory_space<vmem_shared>>
        %dma_wait3A_343 = arith.constant 0 : i32
        %dma_wait3A_344 = arith.constant 0 : i32
        %dma_wait3A_345 = tpu.memref_slice %arg16[%dma_wait3A_343, %dma_wait3A_344] : memref<128x128xf32, #tpu.memory_space<vmem>> -> memref<80x128xf32, #tpu.memory_space<vmem>>
        tpu.wait_dma2 semaphore(%run_scoped3A : memref<!tpu.dma_semaphore, #tpu.memory_space<semaphore_mem>>) src(%dma_wait3A_345 : memref<80x128xf32, #tpu.memory_space<vmem>>) dst(%dma_wait3A_342 : memref<80x128xf32, #tpu.memory_space<vmem_shared>>)
        tpu.yield
      }) : () -> ()
    } else {
    }
    %add3A_39 = arith.constant 80 : i32
    %add3A_40 = arith.addi %add3A_39, %arg1 : i32
    %lt3A_41 = arith.constant 125 : i32
    %lt3A_42 = arith.cmpi slt, %add3A_40, %lt3A_41 : i32
    %convert_element_type3A_43 = arith.extui %lt3A_42 : i1 to i32
    %cond3A_44 = arith.constant 0 : i32
    %cond3A_45 = arith.cmpi ne, %convert_element_type3A_43, %cond3A_44 : i32
    scf.if %cond3A_45 {
      %mul3A_324 = arith.constant 80 : i32
      %mul3A_325 = arith.muli %add3A_40, %mul3A_324 : i32
      "tpu.region"() ({
        %run_scoped3A = tpu.sem_alloc : memref<!tpu.dma_semaphore, #tpu.memory_space<semaphore_mem>>
        %dma_start3A_326 = arith.constant 0 : i32
        %dma_start3A_327 = arith.constant 0 : i32
        %dma_start3A_328 = tpu.memref_slice %arg16[%dma_start3A_326, %dma_start3A_327] : memref<128x128xf32, #tpu.memory_space<vmem>> -> memref<80x128xf32, #tpu.memory_space<vmem>>
        %dma_start3A_329 = arith.constant 0 : i32
        %dma_start3A_330 = tpu.memref_slice %arg18[%mul3A_325, %dma_start3A_329] : memref<10000x128xf32, #tpu.memory_space<vmem_shared>> -> memref<80x128xf32, #tpu.memory_space<vmem_shared>>
        %dma_start3A_331 = arith.constant 0 : i32
        %dma_start3A_332 = tpu.memref_slice %arg18[%mul3A_325, %dma_start3A_331] : memref<10000x128xf32, #tpu.memory_space<vmem_shared>> -> memref<80x128xf32, #tpu.memory_space<vmem_shared>>
        %dma_start3A_333 = arith.constant 0 : i32
        %dma_start3A_334 = arith.constant 0 : i32
        %dma_start3A_335 = tpu.memref_slice %arg16[%dma_start3A_333, %dma_start3A_334] : memref<128x128xf32, #tpu.memory_space<vmem>> -> memref<80x128xf32, #tpu.memory_space<vmem>>
        tpu.enqueue_dma source(%dma_start3A_335 : memref<80x128xf32, #tpu.memory_space<vmem>>) target(%dma_start3A_332 : memref<80x128xf32, #tpu.memory_space<vmem_shared>>) target_semaphore(%run_scoped3A : memref<!tpu.dma_semaphore, #tpu.memory_space<semaphore_mem>>)
        %dma_wait3A_336 = arith.constant 0 : i32
        %dma_wait3A_337 = arith.constant 0 : i32
        %dma_wait3A_338 = tpu.memref_slice %arg16[%dma_wait3A_336, %dma_wait3A_337] : memref<128x128xf32, #tpu.memory_space<vmem>> -> memref<80x128xf32, #tpu.memory_space<vmem>>
        %dma_wait3A_339 = arith.constant 0 : i32
        %dma_wait3A_340 = tpu.memref_slice %arg18[%mul3A_325, %dma_wait3A_339] : memref<10000x128xf32, #tpu.memory_space<vmem_shared>> -> memref<80x128xf32, #tpu.memory_space<vmem_shared>>
        %dma_wait3A_341 = arith.constant 0 : i32
        %dma_wait3A_342 = tpu.memref_slice %arg18[%mul3A_325, %dma_wait3A_341] : memref<10000x128xf32, #tpu.memory_space<vmem_shared>> -> memref<80x128xf32, #tpu.memory_space<vmem_shared>>
        %dma_wait3A_343 = arith.constant 0 : i32
        %dma_wait3A_344 = arith.constant 0 : i32
        %dma_wait3A_345 = tpu.memref_slice %arg16[%dma_wait3A_343, %dma_wait3A_344] : memref<128x128xf32, #tpu.memory_space<vmem>> -> memref<80x128xf32, #tpu.memory_space<vmem>>
        tpu.wait_dma2 semaphore(%run_scoped3A : memref<!tpu.dma_semaphore, #tpu.memory_space<semaphore_mem>>) src(%dma_wait3A_345 : memref<80x128xf32, #tpu.memory_space<vmem>>) dst(%dma_wait3A_342 : memref<80x128xf32, #tpu.memory_space<vmem_shared>>)
        tpu.yield
      }) : () -> ()
    } else {
    }
    %add3A_46 = arith.constant 96 : i32
    %add3A_47 = arith.addi %add3A_46, %arg1 : i32
    %lt3A_48 = arith.constant 125 : i32
    %lt3A_49 = arith.cmpi slt, %add3A_47, %lt3A_48 : i32
    %convert_element_type3A_50 = arith.extui %lt3A_49 : i1 to i32
    %cond3A_51 = arith.constant 0 : i32
    %cond3A_52 = arith.cmpi ne, %convert_element_type3A_50, %cond3A_51 : i32
    scf.if %cond3A_52 {
      %mul3A_324 = arith.constant 80 : i32
      %mul3A_325 = arith.muli %add3A_47, %mul3A_324 : i32
      "tpu.region"() ({
        %run_scoped3A = tpu.sem_alloc : memref<!tpu.dma_semaphore, #tpu.memory_space<semaphore_mem>>
        %dma_start3A_326 = arith.constant 0 : i32
        %dma_start3A_327 = arith.constant 0 : i32
        %dma_start3A_328 = tpu.memref_slice %arg16[%dma_start3A_326, %dma_start3A_327] : memref<128x128xf32, #tpu.memory_space<vmem>> -> memref<80x128xf32, #tpu.memory_space<vmem>>
        %dma_start3A_329 = arith.constant 0 : i32
        %dma_start3A_330 = tpu.memref_slice %arg18[%mul3A_325, %dma_start3A_329] : memref<10000x128xf32, #tpu.memory_space<vmem_shared>> -> memref<80x128xf32, #tpu.memory_space<vmem_shared>>
        %dma_start3A_331 = arith.constant 0 : i32
        %dma_start3A_332 = tpu.memref_slice %arg18[%mul3A_325, %dma_start3A_331] : memref<10000x128xf32, #tpu.memory_space<vmem_shared>> -> memref<80x128xf32, #tpu.memory_space<vmem_shared>>
        %dma_start3A_333 = arith.constant 0 : i32
        %dma_start3A_334 = arith.constant 0 : i32
        %dma_start3A_335 = tpu.memref_slice %arg16[%dma_start3A_333, %dma_start3A_334] : memref<128x128xf32, #tpu.memory_space<vmem>> -> memref<80x128xf32, #tpu.memory_space<vmem>>
        tpu.enqueue_dma source(%dma_start3A_335 : memref<80x128xf32, #tpu.memory_space<vmem>>) target(%dma_start3A_332 : memref<80x128xf32, #tpu.memory_space<vmem_shared>>) target_semaphore(%run_scoped3A : memref<!tpu.dma_semaphore, #tpu.memory_space<semaphore_mem>>)
        %dma_wait3A_336 = arith.constant 0 : i32
        %dma_wait3A_337 = arith.constant 0 : i32
        %dma_wait3A_338 = tpu.memref_slice %arg16[%dma_wait3A_336, %dma_wait3A_337] : memref<128x128xf32, #tpu.memory_space<vmem>> -> memref<80x128xf32, #tpu.memory_space<vmem>>
        %dma_wait3A_339 = arith.constant 0 : i32
        %dma_wait3A_340 = tpu.memref_slice %arg18[%mul3A_325, %dma_wait3A_339] : memref<10000x128xf32, #tpu.memory_space<vmem_shared>> -> memref<80x128xf32, #tpu.memory_space<vmem_shared>>
        %dma_wait3A_341 = arith.constant 0 : i32
        %dma_wait3A_342 = tpu.memref_slice %arg18[%mul3A_325, %dma_wait3A_341] : memref<10000x128xf32, #tpu.memory_space<vmem_shared>> -> memref<80x128xf32, #tpu.memory_space<vmem_shared>>
        %dma_wait3A_343 = arith.constant 0 : i32
        %dma_wait3A_344 = arith.constant 0 : i32
        %dma_wait3A_345 = tpu.memref_slice %arg16[%dma_wait3A_343, %dma_wait3A_344] : memref<128x128xf32, #tpu.memory_space<vmem>> -> memref<80x128xf32, #tpu.memory_space<vmem>>
        tpu.wait_dma2 semaphore(%run_scoped3A : memref<!tpu.dma_semaphore, #tpu.memory_space<semaphore_mem>>) src(%dma_wait3A_345 : memref<80x128xf32, #tpu.memory_space<vmem>>) dst(%dma_wait3A_342 : memref<80x128xf32, #tpu.memory_space<vmem_shared>>)
        tpu.yield
      }) : () -> ()
    } else {
    }
    %add3A_53 = arith.constant 112 : i32
    %add3A_54 = arith.addi %add3A_53, %arg1 : i32
    %lt3A_55 = arith.constant 125 : i32
    %lt3A_56 = arith.cmpi slt, %add3A_54, %lt3A_55 : i32
    %convert_element_type3A_57 = arith.extui %lt3A_56 : i1 to i32
    %cond3A_58 = arith.constant 0 : i32
    %cond3A_59 = arith.cmpi ne, %convert_element_type3A_57, %cond3A_58 : i32
    scf.if %cond3A_59 {
      %mul3A_324 = arith.constant 80 : i32
      %mul3A_325 = arith.muli %add3A_54, %mul3A_324 : i32
      "tpu.region"() ({
        %run_scoped3A = tpu.sem_alloc : memref<!tpu.dma_semaphore, #tpu.memory_space<semaphore_mem>>
        %dma_start3A_326 = arith.constant 0 : i32
        %dma_start3A_327 = arith.constant 0 : i32
        %dma_start3A_328 = tpu.memref_slice %arg16[%dma_start3A_326, %dma_start3A_327] : memref<128x128xf32, #tpu.memory_space<vmem>> -> memref<80x128xf32, #tpu.memory_space<vmem>>
        %dma_start3A_329 = arith.constant 0 : i32
        %dma_start3A_330 = tpu.memref_slice %arg18[%mul3A_325, %dma_start3A_329] : memref<10000x128xf32, #tpu.memory_space<vmem_shared>> -> memref<80x128xf32, #tpu.memory_space<vmem_shared>>
        %dma_start3A_331 = arith.constant 0 : i32
        %dma_start3A_332 = tpu.memref_slice %arg18[%mul3A_325, %dma_start3A_331] : memref<10000x128xf32, #tpu.memory_space<vmem_shared>> -> memref<80x128xf32, #tpu.memory_space<vmem_shared>>
        %dma_start3A_333 = arith.constant 0 : i32
        %dma_start3A_334 = arith.constant 0 : i32
        %dma_start3A_335 = tpu.memref_slice %arg16[%dma_start3A_333, %dma_start3A_334] : memref<128x128xf32, #tpu.memory_space<vmem>> -> memref<80x128xf32, #tpu.memory_space<vmem>>
        tpu.enqueue_dma source(%dma_start3A_335 : memref<80x128xf32, #tpu.memory_space<vmem>>) target(%dma_start3A_332 : memref<80x128xf32, #tpu.memory_space<vmem_shared>>) target_semaphore(%run_scoped3A : memref<!tpu.dma_semaphore, #tpu.memory_space<semaphore_mem>>)
        %dma_wait3A_336 = arith.constant 0 : i32
        %dma_wait3A_337 = arith.constant 0 : i32
        %dma_wait3A_338 = tpu.memref_slice %arg16[%dma_wait3A_336, %dma_wait3A_337] : memref<128x128xf32, #tpu.memory_space<vmem>> -> memref<80x128xf32, #tpu.memory_space<vmem>>
        %dma_wait3A_339 = arith.constant 0 : i32
        %dma_wait3A_340 = tpu.memref_slice %arg18[%mul3A_325, %dma_wait3A_339] : memref<10000x128xf32, #tpu.memory_space<vmem_shared>> -> memref<80x128xf32, #tpu.memory_space<vmem_shared>>
        %dma_wait3A_341 = arith.constant 0 : i32
        %dma_wait3A_342 = tpu.memref_slice %arg18[%mul3A_325, %dma_wait3A_341] : memref<10000x128xf32, #tpu.memory_space<vmem_shared>> -> memref<80x128xf32, #tpu.memory_space<vmem_shared>>
        %dma_wait3A_343 = arith.constant 0 : i32
        %dma_wait3A_344 = arith.constant 0 : i32
        %dma_wait3A_345 = tpu.memref_slice %arg16[%dma_wait3A_343, %dma_wait3A_344] : memref<128x128xf32, #tpu.memory_space<vmem>> -> memref<80x128xf32, #tpu.memory_space<vmem>>
        tpu.wait_dma2 semaphore(%run_scoped3A : memref<!tpu.dma_semaphore, #tpu.memory_space<semaphore_mem>>) src(%dma_wait3A_345 : memref<80x128xf32, #tpu.memory_space<vmem>>) dst(%dma_wait3A_342 : memref<80x128xf32, #tpu.memory_space<vmem_shared>>)
        tpu.yield
      }) : () -> ()
    } else {
    }
    %barrier3A = arith.constant 0 : index
    tpu.barrier barrier_id(%barrier3A)
    %mul3A_60 = arith.constant 128 : i32
    %mul3A_61 = arith.muli %add3A, %mul3A_60 : i32
    %dma_start3A = tpu.memref_slice %arg3[%mul3A_61] : memref<640000xi32, #tpu.memory_space<hbm>> -> memref<128xi32, #tpu.memory_space<hbm>>
    %dma_start3A_62 = tpu.memref_slice %arg3[%mul3A_61] : memref<640000xi32, #tpu.memory_space<hbm>> -> memref<128xi32, #tpu.memory_space<hbm>>
    tpu.enqueue_dma source(%dma_start3A_62 : memref<128xi32, #tpu.memory_space<hbm>>) target(%arg6 : memref<128xi32, #tpu.memory_space<vmem>>) target_semaphore(%arg19 : memref<!tpu.dma_semaphore, #tpu.memory_space<semaphore_mem>>)
    %dma_start3A_63 = tpu.memref_slice %arg4[%mul3A_61] : memref<320000xi32, #tpu.memory_space<hbm>> -> memref<128xi32, #tpu.memory_space<hbm>>
    %dma_start3A_64 = tpu.memref_slice %arg4[%mul3A_61] : memref<320000xi32, #tpu.memory_space<hbm>> -> memref<128xi32, #tpu.memory_space<hbm>>
    tpu.enqueue_dma source(%dma_start3A_64 : memref<128xi32, #tpu.memory_space<hbm>>) target(%arg8 : memref<128xi32, #tpu.memory_space<vmem>>) target_semaphore(%arg19 : memref<!tpu.dma_semaphore, #tpu.memory_space<semaphore_mem>>)
    %add3A_65 = arith.constant 320000 : i32
    %add3A_66 = arith.addi %add3A_65, %mul3A_61 : i32
    %dma_start3A_67 = tpu.memref_slice %arg3[%add3A_66] : memref<640000xi32, #tpu.memory_space<hbm>> -> memref<128xi32, #tpu.memory_space<hbm>>
    %dma_start3A_68 = tpu.memref_slice %arg3[%add3A_66] : memref<640000xi32, #tpu.memory_space<hbm>> -> memref<128xi32, #tpu.memory_space<hbm>>
    tpu.enqueue_dma source(%dma_start3A_68 : memref<128xi32, #tpu.memory_space<hbm>>) target(%arg10 : memref<128xi32, #tpu.memory_space<vmem>>) target_semaphore(%arg19 : memref<!tpu.dma_semaphore, #tpu.memory_space<semaphore_mem>>)
    %dma_wait3A = arith.constant 0 : i32
    %dma_wait3A_69 = tpu.memref_slice %arg3[%dma_wait3A] : memref<640000xi32, #tpu.memory_space<hbm>> -> memref<128xi32, #tpu.memory_space<hbm>>
    %dma_wait3A_70 = arith.constant 0 : i32
    %dma_wait3A_71 = tpu.memref_slice %arg3[%dma_wait3A_70] : memref<640000xi32, #tpu.memory_space<hbm>> -> memref<128xi32, #tpu.memory_space<hbm>>
    tpu.wait_dma2 semaphore(%arg19 : memref<!tpu.dma_semaphore, #tpu.memory_space<semaphore_mem>>) src(%dma_wait3A_71 : memref<128xi32, #tpu.memory_space<hbm>>) dst(%arg6 : memref<128xi32, #tpu.memory_space<vmem>>)
    %dma_wait3A_72 = arith.constant 0 : i32
    %dma_wait3A_73 = tpu.memref_slice %arg4[%dma_wait3A_72] : memref<320000xi32, #tpu.memory_space<hbm>> -> memref<128xi32, #tpu.memory_space<hbm>>
    %dma_wait3A_74 = arith.constant 0 : i32
    %dma_wait3A_75 = tpu.memref_slice %arg4[%dma_wait3A_74] : memref<320000xi32, #tpu.memory_space<hbm>> -> memref<128xi32, #tpu.memory_space<hbm>>
    tpu.wait_dma2 semaphore(%arg19 : memref<!tpu.dma_semaphore, #tpu.memory_space<semaphore_mem>>) src(%dma_wait3A_75 : memref<128xi32, #tpu.memory_space<hbm>>) dst(%arg8 : memref<128xi32, #tpu.memory_space<vmem>>)
    %dma_wait3A_76 = arith.constant 0 : i32
    %dma_wait3A_77 = tpu.memref_slice %arg3[%dma_wait3A_76] : memref<640000xi32, #tpu.memory_space<hbm>> -> memref<128xi32, #tpu.memory_space<hbm>>
    %dma_wait3A_78 = arith.constant 0 : i32
    %dma_wait3A_79 = tpu.memref_slice %arg3[%dma_wait3A_78] : memref<640000xi32, #tpu.memory_space<hbm>> -> memref<128xi32, #tpu.memory_space<hbm>>
    tpu.wait_dma2 semaphore(%arg19 : memref<!tpu.dma_semaphore, #tpu.memory_space<semaphore_mem>>) src(%dma_wait3A_79 : memref<128xi32, #tpu.memory_space<hbm>>) dst(%arg10 : memref<128xi32, #tpu.memory_space<vmem>>)
    %get3A = arith.constant 0 : index
    %get3A_80 = tpu.vector_load %arg8[%get3A] {strides = array<i32>} : memref<128xi32, #tpu.memory_space<vmem>>, vector<16xi32>,
    %get3A_81 = vector.shape_cast %get3A_80 : vector<16xi32> to vector<16xi32>
    %mul3A_82 = arith.constant 10000 : i32
    %mul3A_83 = vector.broadcast %mul3A_82 : i32 to vector<16xi32>
    %mul3A_84 = arith.muli %get3A_81, %mul3A_83 : vector<16xi32>
    %get3A_85 = arith.constant 0 : index
    %get3A_86 = tpu.vector_load %arg6[%get3A_85] {strides = array<i32>} : memref<128xi32, #tpu.memory_space<vmem>>, vector<16xi32>,
    %get3A_87 = vector.shape_cast %get3A_86 : vector<16xi32> to vector<16xi32>
    %add3A_88 = arith.addi %mul3A_84, %get3A_87 : vector<16xi32>
    %swap3A = arith.constant 0 : index
    %swap3A_89 = tpu.vector_load %arg12[%swap3A] {strides = array<i32>} : memref<128xi32, #tpu.memory_space<vmem>>, vector<16xi32>,
    %swap3A_90 = vector.shape_cast %swap3A_89 : vector<16xi32> to vector<16xi32>
    %swap3A_91 = vector.shape_cast %add3A_88 : vector<16xi32> to vector<16xi32>
    tpu.vector_store %arg12[%swap3A], %swap3A_91 {strides = array<i32>} : memref<128xi32, #tpu.memory_space<vmem>>, vector<16xi32>,
    %get3A_92 = arith.constant 0 : index
    %get3A_93 = tpu.vector_load %arg10[%get3A_92] {strides = array<i32>} : memref<128xi32, #tpu.memory_space<vmem>>, vector<16xi32>,
    %get3A_94 = vector.shape_cast %get3A_93 : vector<16xi32> to vector<16xi32>
    %swap3A_95 = arith.constant 0 : index
    %swap3A_96 = tpu.vector_load %arg14[%swap3A_95] {strides = array<i32>} : memref<128xi32, #tpu.memory_space<vmem>>, vector<16xi32>,
    %swap3A_97 = vector.shape_cast %swap3A_96 : vector<16xi32> to vector<16xi32>
    %swap3A_98 = vector.shape_cast %get3A_94 : vector<16xi32> to vector<16xi32>
    tpu.vector_store %arg14[%swap3A_95], %swap3A_98 {strides = array<i32>} : memref<128xi32, #tpu.memory_space<vmem>>, vector<16xi32>,
    %get3A_99 = arith.constant 16 : index
    %get3A_100 = tpu.vector_load %arg8[%get3A_99] {strides = array<i32>} : memref<128xi32, #tpu.memory_space<vmem>>, vector<16xi32>,
    %get3A_101 = vector.shape_cast %get3A_100 : vector<16xi32> to vector<16xi32>
    %mul3A_102 = arith.constant 10000 : i32
    %mul3A_103 = vector.broadcast %mul3A_102 : i32 to vector<16xi32>
    %mul3A_104 = arith.muli %get3A_101, %mul3A_103 : vector<16xi32>
    %get3A_105 = arith.constant 16 : index
    %get3A_106 = tpu.vector_load %arg6[%get3A_105] {strides = array<i32>} : memref<128xi32, #tpu.memory_space<vmem>>, vector<16xi32>,
    %get3A_107 = vector.shape_cast %get3A_106 : vector<16xi32> to vector<16xi32>
    %add3A_108 = arith.addi %mul3A_104, %get3A_107 : vector<16xi32>
    %swap3A_109 = arith.constant 16 : index
    %swap3A_110 = tpu.vector_load %arg12[%swap3A_109] {strides = array<i32>} : memref<128xi32, #tpu.memory_space<vmem>>, vector<16xi32>,
    %swap3A_111 = vector.shape_cast %swap3A_110 : vector<16xi32> to vector<16xi32>
    %swap3A_112 = vector.shape_cast %add3A_108 : vector<16xi32> to vector<16xi32>
    tpu.vector_store %arg12[%swap3A_109], %swap3A_112 {strides = array<i32>} : memref<128xi32, #tpu.memory_space<vmem>>, vector<16xi32>,
    %get3A_113 = arith.constant 16 : index
    %get3A_114 = tpu.vector_load %arg10[%get3A_113] {strides = array<i32>} : memref<128xi32, #tpu.memory_space<vmem>>, vector<16xi32>,
    %get3A_115 = vector.shape_cast %get3A_114 : vector<16xi32> to vector<16xi32>
    %swap3A_116 = arith.constant 16 : index
    %swap3A_117 = tpu.vector_load %arg14[%swap3A_116] {strides = array<i32>} : memref<128xi32, #tpu.memory_space<vmem>>, vector<16xi32>,
    %swap3A_118 = vector.shape_cast %swap3A_117 : vector<16xi32> to vector<16xi32>
    %swap3A_119 = vector.shape_cast %get3A_115 : vector<16xi32> to vector<16xi32>
    tpu.vector_store %arg14[%swap3A_116], %swap3A_119 {strides = array<i32>} : memref<128xi32, #tpu.memory_space<vmem>>, vector<16xi32>,
    %get3A_120 = arith.constant 32 : index
    %get3A_121 = tpu.vector_load %arg8[%get3A_120] {strides = array<i32>} : memref<128xi32, #tpu.memory_space<vmem>>, vector<16xi32>,
    %get3A_122 = vector.shape_cast %get3A_121 : vector<16xi32> to vector<16xi32>
    %mul3A_123 = arith.constant 10000 : i32
    %mul3A_124 = vector.broadcast %mul3A_123 : i32 to vector<16xi32>
    %mul3A_125 = arith.muli %get3A_122, %mul3A_124 : vector<16xi32>
    %get3A_126 = arith.constant 32 : index
    %get3A_127 = tpu.vector_load %arg6[%get3A_126] {strides = array<i32>} : memref<128xi32, #tpu.memory_space<vmem>>, vector<16xi32>,
    %get3A_128 = vector.shape_cast %get3A_127 : vector<16xi32> to vector<16xi32>
    %add3A_129 = arith.addi %mul3A_125, %get3A_128 : vector<16xi32>
    %swap3A_130 = arith.constant 32 : index
    %swap3A_131 = tpu.vector_load %arg12[%swap3A_130] {strides = array<i32>} : memref<128xi32, #tpu.memory_space<vmem>>, vector<16xi32>,
    %swap3A_132 = vector.shape_cast %swap3A_131 : vector<16xi32> to vector<16xi32>
    %swap3A_133 = vector.shape_cast %add3A_129 : vector<16xi32> to vector<16xi32>
    tpu.vector_store %arg12[%swap3A_130], %swap3A_133 {strides = array<i32>} : memref<128xi32, #tpu.memory_space<vmem>>, vector<16xi32>,
    %get3A_134 = arith.constant 32 : index
    %get3A_135 = tpu.vector_load %arg10[%get3A_134] {strides = array<i32>} : memref<128xi32, #tpu.memory_space<vmem>>, vector<16xi32>,
    %get3A_136 = vector.shape_cast %get3A_135 : vector<16xi32> to vector<16xi32>
    %swap3A_137 = arith.constant 32 : index
    %swap3A_138 = tpu.vector_load %arg14[%swap3A_137] {strides = array<i32>} : memref<128xi32, #tpu.memory_space<vmem>>, vector<16xi32>,
    %swap3A_139 = vector.shape_cast %swap3A_138 : vector<16xi32> to vector<16xi32>
    %swap3A_140 = vector.shape_cast %get3A_136 : vector<16xi32> to vector<16xi32>
    tpu.vector_store %arg14[%swap3A_137], %swap3A_140 {strides = array<i32>} : memref<128xi32, #tpu.memory_space<vmem>>, vector<16xi32>,
    %get3A_141 = arith.constant 48 : index
    %get3A_142 = tpu.vector_load %arg8[%get3A_141] {strides = array<i32>} : memref<128xi32, #tpu.memory_space<vmem>>, vector<16xi32>,
    %get3A_143 = vector.shape_cast %get3A_142 : vector<16xi32> to vector<16xi32>
    %mul3A_144 = arith.constant 10000 : i32
    %mul3A_145 = vector.broadcast %mul3A_144 : i32 to vector<16xi32>
    %mul3A_146 = arith.muli %get3A_143, %mul3A_145 : vector<16xi32>
    %get3A_147 = arith.constant 48 : index
    %get3A_148 = tpu.vector_load %arg6[%get3A_147] {strides = array<i32>} : memref<128xi32, #tpu.memory_space<vmem>>, vector<16xi32>,
    %get3A_149 = vector.shape_cast %get3A_148 : vector<16xi32> to vector<16xi32>
    %add3A_150 = arith.addi %mul3A_146, %get3A_149 : vector<16xi32>
    %swap3A_151 = arith.constant 48 : index
    %swap3A_152 = tpu.vector_load %arg12[%swap3A_151] {strides = array<i32>} : memref<128xi32, #tpu.memory_space<vmem>>, vector<16xi32>,
    %swap3A_153 = vector.shape_cast %swap3A_152 : vector<16xi32> to vector<16xi32>
    %swap3A_154 = vector.shape_cast %add3A_150 : vector<16xi32> to vector<16xi32>
    tpu.vector_store %arg12[%swap3A_151], %swap3A_154 {strides = array<i32>} : memref<128xi32, #tpu.memory_space<vmem>>, vector<16xi32>,
    %get3A_155 = arith.constant 48 : index
    %get3A_156 = tpu.vector_load %arg10[%get3A_155] {strides = array<i32>} : memref<128xi32, #tpu.memory_space<vmem>>, vector<16xi32>,
    %get3A_157 = vector.shape_cast %get3A_156 : vector<16xi32> to vector<16xi32>
    %swap3A_158 = arith.constant 48 : index
    %swap3A_159 = tpu.vector_load %arg14[%swap3A_158] {strides = array<i32>} : memref<128xi32, #tpu.memory_space<vmem>>, vector<16xi32>,
    %swap3A_160 = vector.shape_cast %swap3A_159 : vector<16xi32> to vector<16xi32>
    %swap3A_161 = vector.shape_cast %get3A_157 : vector<16xi32> to vector<16xi32>
    tpu.vector_store %arg14[%swap3A_158], %swap3A_161 {strides = array<i32>} : memref<128xi32, #tpu.memory_space<vmem>>, vector<16xi32>,
    %get3A_162 = arith.constant 64 : index
    %get3A_163 = tpu.vector_load %arg8[%get3A_162] {strides = array<i32>} : memref<128xi32, #tpu.memory_space<vmem>>, vector<16xi32>,
    %get3A_164 = vector.shape_cast %get3A_163 : vector<16xi32> to vector<16xi32>
    %mul3A_165 = arith.constant 10000 : i32
    %mul3A_166 = vector.broadcast %mul3A_165 : i32 to vector<16xi32>
    %mul3A_167 = arith.muli %get3A_164, %mul3A_166 : vector<16xi32>
    %get3A_168 = arith.constant 64 : index
    %get3A_169 = tpu.vector_load %arg6[%get3A_168] {strides = array<i32>} : memref<128xi32, #tpu.memory_space<vmem>>, vector<16xi32>,
    %get3A_170 = vector.shape_cast %get3A_169 : vector<16xi32> to vector<16xi32>
    %add3A_171 = arith.addi %mul3A_167, %get3A_170 : vector<16xi32>
    %swap3A_172 = arith.constant 64 : index
    %swap3A_173 = tpu.vector_load %arg12[%swap3A_172] {strides = array<i32>} : memref<128xi32, #tpu.memory_space<vmem>>, vector<16xi32>,
    %swap3A_174 = vector.shape_cast %swap3A_173 : vector<16xi32> to vector<16xi32>
    %swap3A_175 = vector.shape_cast %add3A_171 : vector<16xi32> to vector<16xi32>
    tpu.vector_store %arg12[%swap3A_172], %swap3A_175 {strides = array<i32>} : memref<128xi32, #tpu.memory_space<vmem>>, vector<16xi32>,
    %get3A_176 = arith.constant 64 : index
    %get3A_177 = tpu.vector_load %arg10[%get3A_176] {strides = array<i32>} : memref<128xi32, #tpu.memory_space<vmem>>, vector<16xi32>,
    %get3A_178 = vector.shape_cast %get3A_177 : vector<16xi32> to vector<16xi32>
    %swap3A_179 = arith.constant 64 : index
    %swap3A_180 = tpu.vector_load %arg14[%swap3A_179] {strides = array<i32>} : memref<128xi32, #tpu.memory_space<vmem>>, vector<16xi32>,
    %swap3A_181 = vector.shape_cast %swap3A_180 : vector<16xi32> to vector<16xi32>
    %swap3A_182 = vector.shape_cast %get3A_178 : vector<16xi32> to vector<16xi32>
    tpu.vector_store %arg14[%swap3A_179], %swap3A_182 {strides = array<i32>} : memref<128xi32, #tpu.memory_space<vmem>>, vector<16xi32>,
    %get3A_183 = arith.constant 80 : index
    %get3A_184 = tpu.vector_load %arg8[%get3A_183] {strides = array<i32>} : memref<128xi32, #tpu.memory_space<vmem>>, vector<16xi32>,
    %get3A_185 = vector.shape_cast %get3A_184 : vector<16xi32> to vector<16xi32>
    %mul3A_186 = arith.constant 10000 : i32
    %mul3A_187 = vector.broadcast %mul3A_186 : i32 to vector<16xi32>
    %mul3A_188 = arith.muli %get3A_185, %mul3A_187 : vector<16xi32>
    %get3A_189 = arith.constant 80 : index
    %get3A_190 = tpu.vector_load %arg6[%get3A_189] {strides = array<i32>} : memref<128xi32, #tpu.memory_space<vmem>>, vector<16xi32>,
    %get3A_191 = vector.shape_cast %get3A_190 : vector<16xi32> to vector<16xi32>
    %add3A_192 = arith.addi %mul3A_188, %get3A_191 : vector<16xi32>
    %swap3A_193 = arith.constant 80 : index
    %swap3A_194 = tpu.vector_load %arg12[%swap3A_193] {strides = array<i32>} : memref<128xi32, #tpu.memory_space<vmem>>, vector<16xi32>,
    %swap3A_195 = vector.shape_cast %swap3A_194 : vector<16xi32> to vector<16xi32>
    %swap3A_196 = vector.shape_cast %add3A_192 : vector<16xi32> to vector<16xi32>
    tpu.vector_store %arg12[%swap3A_193], %swap3A_196 {strides = array<i32>} : memref<128xi32, #tpu.memory_space<vmem>>, vector<16xi32>,
    %get3A_197 = arith.constant 80 : index
    %get3A_198 = tpu.vector_load %arg10[%get3A_197] {strides = array<i32>} : memref<128xi32, #tpu.memory_space<vmem>>, vector<16xi32>,
    %get3A_199 = vector.shape_cast %get3A_198 : vector<16xi32> to vector<16xi32>
    %swap3A_200 = arith.constant 80 : index
    %swap3A_201 = tpu.vector_load %arg14[%swap3A_200] {strides = array<i32>} : memref<128xi32, #tpu.memory_space<vmem>>, vector<16xi32>,
    %swap3A_202 = vector.shape_cast %swap3A_201 : vector<16xi32> to vector<16xi32>
    %swap3A_203 = vector.shape_cast %get3A_199 : vector<16xi32> to vector<16xi32>
    tpu.vector_store %arg14[%swap3A_200], %swap3A_203 {strides = array<i32>} : memref<128xi32, #tpu.memory_space<vmem>>, vector<16xi32>,
    %get3A_204 = arith.constant 96 : index
    %get3A_205 = tpu.vector_load %arg8[%get3A_204] {strides = array<i32>} : memref<128xi32, #tpu.memory_space<vmem>>, vector<16xi32>,
    %get3A_206 = vector.shape_cast %get3A_205 : vector<16xi32> to vector<16xi32>
    %mul3A_207 = arith.constant 10000 : i32
    %mul3A_208 = vector.broadcast %mul3A_207 : i32 to vector<16xi32>
    %mul3A_209 = arith.muli %get3A_206, %mul3A_208 : vector<16xi32>
    %get3A_210 = arith.constant 96 : index
    %get3A_211 = tpu.vector_load %arg6[%get3A_210] {strides = array<i32>} : memref<128xi32, #tpu.memory_space<vmem>>, vector<16xi32>,
    %get3A_212 = vector.shape_cast %get3A_211 : vector<16xi32> to vector<16xi32>
    %add3A_213 = arith.addi %mul3A_209, %get3A_212 : vector<16xi32>
    %swap3A_214 = arith.constant 96 : index
    %swap3A_215 = tpu.vector_load %arg12[%swap3A_214] {strides = array<i32>} : memref<128xi32, #tpu.memory_space<vmem>>, vector<16xi32>,
    %swap3A_216 = vector.shape_cast %swap3A_215 : vector<16xi32> to vector<16xi32>
    %swap3A_217 = vector.shape_cast %add3A_213 : vector<16xi32> to vector<16xi32>
    tpu.vector_store %arg12[%swap3A_214], %swap3A_217 {strides = array<i32>} : memref<128xi32, #tpu.memory_space<vmem>>, vector<16xi32>,
    %get3A_218 = arith.constant 96 : index
    %get3A_219 = tpu.vector_load %arg10[%get3A_218] {strides = array<i32>} : memref<128xi32, #tpu.memory_space<vmem>>, vector<16xi32>,
    %get3A_220 = vector.shape_cast %get3A_219 : vector<16xi32> to vector<16xi32>
    %swap3A_221 = arith.constant 96 : index
    %swap3A_222 = tpu.vector_load %arg14[%swap3A_221] {strides = array<i32>} : memref<128xi32, #tpu.memory_space<vmem>>, vector<16xi32>,
    %swap3A_223 = vector.shape_cast %swap3A_222 : vector<16xi32> to vector<16xi32>
    %swap3A_224 = vector.shape_cast %get3A_220 : vector<16xi32> to vector<16xi32>
    tpu.vector_store %arg14[%swap3A_221], %swap3A_224 {strides = array<i32>} : memref<128xi32, #tpu.memory_space<vmem>>, vector<16xi32>,
    %get3A_225 = arith.constant 112 : index
    %get3A_226 = tpu.vector_load %arg8[%get3A_225] {strides = array<i32>} : memref<128xi32, #tpu.memory_space<vmem>>, vector<16xi32>,
    %get3A_227 = vector.shape_cast %get3A_226 : vector<16xi32> to vector<16xi32>
    %mul3A_228 = arith.constant 10000 : i32
    %mul3A_229 = vector.broadcast %mul3A_228 : i32 to vector<16xi32>
    %mul3A_230 = arith.muli %get3A_227, %mul3A_229 : vector<16xi32>
    %get3A_231 = arith.constant 112 : index
    %get3A_232 = tpu.vector_load %arg6[%get3A_231] {strides = array<i32>} : memref<128xi32, #tpu.memory_space<vmem>>, vector<16xi32>,
    %get3A_233 = vector.shape_cast %get3A_232 : vector<16xi32> to vector<16xi32>
    %add3A_234 = arith.addi %mul3A_230, %get3A_233 : vector<16xi32>
    %swap3A_235 = arith.constant 112 : index
    %swap3A_236 = tpu.vector_load %arg12[%swap3A_235] {strides = array<i32>} : memref<128xi32, #tpu.memory_space<vmem>>, vector<16xi32>,
    %swap3A_237 = vector.shape_cast %swap3A_236 : vector<16xi32> to vector<16xi32>
    %swap3A_238 = vector.shape_cast %add3A_234 : vector<16xi32> to vector<16xi32>
    tpu.vector_store %arg12[%swap3A_235], %swap3A_238 {strides = array<i32>} : memref<128xi32, #tpu.memory_space<vmem>>, vector<16xi32>,
    %get3A_239 = arith.constant 112 : index
    %get3A_240 = tpu.vector_load %arg10[%get3A_239] {strides = array<i32>} : memref<128xi32, #tpu.memory_space<vmem>>, vector<16xi32>,
    %get3A_241 = vector.shape_cast %get3A_240 : vector<16xi32> to vector<16xi32>
    %swap3A_242 = arith.constant 112 : index
    %swap3A_243 = tpu.vector_load %arg14[%swap3A_242] {strides = array<i32>} : memref<128xi32, #tpu.memory_space<vmem>>, vector<16xi32>,
    %swap3A_244 = vector.shape_cast %swap3A_243 : vector<16xi32> to vector<16xi32>
    %swap3A_245 = vector.shape_cast %get3A_241 : vector<16xi32> to vector<16xi32>
    tpu.vector_store %arg14[%swap3A_242], %swap3A_245 {strides = array<i32>} : memref<128xi32, #tpu.memory_space<vmem>>, vector<16xi32>,
    %dma_start3A_246 = arith.constant 0 : i32
    %dma_start3A_247 = arith.constant 0 : i32
    %dma_start3A_248 = tpu.memref_slice %arg2[%dma_start3A_246, %dma_start3A_247] : memref<40000x128xf32, #tpu.memory_space<hbm>> -> memref<40000x128xf32, #tpu.memory_space<hbm>>
    tpu.enqueue_indirect_dma source(%dma_start3A_248 : memref<40000x128xf32, #tpu.memory_space<hbm>>) target(%arg16 : memref<128x128xf32, #tpu.memory_space<vmem>>) offsets(%arg12 : memref<128xi32, #tpu.memory_space<vmem>>) semaphore(%arg20 : memref<!tpu.dma_semaphore, #tpu.memory_space<semaphore_mem>>)
    %add3A_249 = arith.constant 32 : i32
    %add3A_250 = arith.addi %add3A, %add3A_249 : i32
    %mul3A_251 = arith.constant 128 : i32
    %mul3A_252 = arith.muli %add3A_250, %mul3A_251 : i32
    %dma_start3A_253 = tpu.memref_slice %arg3[%mul3A_252] : memref<640000xi32, #tpu.memory_space<hbm>> -> memref<128xi32, #tpu.memory_space<hbm>>
    %dma_start3A_254 = tpu.memref_slice %arg3[%mul3A_252] : memref<640000xi32, #tpu.memory_space<hbm>> -> memref<128xi32, #tpu.memory_space<hbm>>
    tpu.enqueue_dma source(%dma_start3A_254 : memref<128xi32, #tpu.memory_space<hbm>>) target(%arg7 : memref<128xi32, #tpu.memory_space<vmem>>) target_semaphore(%arg19 : memref<!tpu.dma_semaphore, #tpu.memory_space<semaphore_mem>>)
    %dma_start3A_255 = tpu.memref_slice %arg4[%mul3A_252] : memref<320000xi32, #tpu.memory_space<hbm>> -> memref<128xi32, #tpu.memory_space<hbm>>
    %dma_start3A_256 = tpu.memref_slice %arg4[%mul3A_252] : memref<320000xi32, #tpu.memory_space<hbm>> -> memref<128xi32, #tpu.memory_space<hbm>>
    tpu.enqueue_dma source(%dma_start3A_256 : memref<128xi32, #tpu.memory_space<hbm>>) target(%arg9 : memref<128xi32, #tpu.memory_space<vmem>>) target_semaphore(%arg19 : memref<!tpu.dma_semaphore, #tpu.memory_space<semaphore_mem>>)
    %add3A_257 = arith.constant 320000 : i32
    %add3A_258 = arith.addi %add3A_257, %mul3A_252 : i32
    %dma_start3A_259 = tpu.memref_slice %arg3[%add3A_258] : memref<640000xi32, #tpu.memory_space<hbm>> -> memref<128xi32, #tpu.memory_space<hbm>>
    %dma_start3A_260 = tpu.memref_slice %arg3[%add3A_258] : memref<640000xi32, #tpu.memory_space<hbm>> -> memref<128xi32, #tpu.memory_space<hbm>>
    tpu.enqueue_dma source(%dma_start3A_260 : memref<128xi32, #tpu.memory_space<hbm>>) target(%arg11 : memref<128xi32, #tpu.memory_space<vmem>>) target_semaphore(%arg19 : memref<!tpu.dma_semaphore, #tpu.memory_space<semaphore_mem>>)
    %scan3A_261 = arith.constant 0 : i32
    %scan3A_262 = arith.constant 0 : i32
    %scan3A_263 = arith.constant 40 : i32
    %scan3A_264 = arith.addi %scan3A_262, %scan3A_263 : i32
    %scan3A_265 = arith.constant 1 : i32
    scf.for %scan3A_324 = %scan3A_262 to %scan3A_264 step %scan3A_265  : i32 {
      %mul3A_325 = arith.constant 2 : i32
      %mul3A_326 = arith.muli %mul3A_325, %scan3A_324 : i32
      %mul3A_327 = arith.constant 32 : i32
      %mul3A_328 = arith.muli %mul3A_326, %mul3A_327 : i32
      %add3A_329 = arith.addi %add3A, %mul3A_328 : i32
      %add3A_330 = arith.constant 1 : i32
      %add3A_331 = arith.addi %mul3A_326, %add3A_330 : i32
      %mul3A_332 = arith.constant 32 : i32
      %mul3A_333 = arith.muli %add3A_331, %mul3A_332 : i32
      %add3A_334 = arith.addi %add3A, %mul3A_333 : i32
      %add3A_335 = arith.constant 2 : i32
      %add3A_336 = arith.addi %mul3A_326, %add3A_335 : i32
      %mul3A_337 = arith.constant 32 : i32
      %mul3A_338 = arith.muli %add3A_336, %mul3A_337 : i32
      %add3A_339 = arith.addi %add3A, %mul3A_338 : i32
      %ge3A = arith.constant 1 : i32
      %ge3A_340 = arith.cmpi sge, %mul3A_326, %ge3A : i32
      %sub3A = arith.constant 1 : i32
      %sub3A_341 = arith.subi %mul3A_326, %sub3A : i32
      %mul3A_342 = arith.constant 32 : i32
      %mul3A_343 = arith.muli %sub3A_341, %mul3A_342 : i32
      %add3A_344 = arith.addi %add3A, %mul3A_343 : i32
      %lt3A_345 = arith.constant 2500 : i32
      %lt3A_346 = arith.cmpi slt, %add3A_344, %lt3A_345 : i32
      %and3A = arith.andi %ge3A_340, %lt3A_346 : i1
      %convert_element_type3A_347 = arith.extui %and3A : i1 to i32
      %cond3A_348 = arith.constant 0 : i32
      %cond3A_349 = arith.cmpi ne, %convert_element_type3A_347, %cond3A_348 : i32
      scf.if %cond3A_349 {
        %dma_wait3A_420 = arith.constant 0 : i32
        %dma_wait3A_421 = arith.constant 0 : i32
        %dma_wait3A_422 = tpu.memref_slice %arg18[%dma_wait3A_420, %dma_wait3A_421] : memref<10000x128xf32, #tpu.memory_space<vmem_shared>> -> memref<10000x128xf32, #tpu.memory_space<vmem_shared>>
        tpu.wait_indirect_dma semaphore(%arg21 : memref<!tpu.dma_semaphore, #tpu.memory_space<semaphore_mem>>) src(%arg17 : memref<128x128xf32, #tpu.memory_space<vmem>>) dst(%dma_wait3A_422 : memref<10000x128xf32, #tpu.memory_space<vmem_shared>>)
      } else {
      }
      %lt3A_350 = arith.constant 2500 : i32
      %lt3A_351 = arith.cmpi slt, %add3A_334, %lt3A_350 : i32
      %convert_element_type3A_352 = arith.extui %lt3A_351 : i1 to i32
      %cond3A_353 = arith.constant 0 : i32
      %cond3A_354 = arith.cmpi ne, %convert_element_type3A_352, %cond3A_353 : i32
      scf.if %cond3A_354 {
        %dma_wait3A_420 = arith.constant 0 : i32
        %dma_wait3A_421 = tpu.memref_slice %arg3[%dma_wait3A_420] : memref<640000xi32, #tpu.memory_space<hbm>> -> memref<128xi32, #tpu.memory_space<hbm>>
        %dma_wait3A_422 = arith.constant 0 : i32
        %dma_wait3A_423 = tpu.memref_slice %arg3[%dma_wait3A_422] : memref<640000xi32, #tpu.memory_space<hbm>> -> memref<128xi32, #tpu.memory_space<hbm>>
        tpu.wait_dma2 semaphore(%arg19 : memref<!tpu.dma_semaphore, #tpu.memory_space<semaphore_mem>>) src(%dma_wait3A_423 : memref<128xi32, #tpu.memory_space<hbm>>) dst(%arg7 : memref<128xi32, #tpu.memory_space<vmem>>)
        %dma_wait3A_424 = arith.constant 0 : i32
        %dma_wait3A_425 = tpu.memref_slice %arg4[%dma_wait3A_424] : memref<320000xi32, #tpu.memory_space<hbm>> -> memref<128xi32, #tpu.memory_space<hbm>>
        %dma_wait3A_426 = arith.constant 0 : i32
        %dma_wait3A_427 = tpu.memref_slice %arg4[%dma_wait3A_426] : memref<320000xi32, #tpu.memory_space<hbm>> -> memref<128xi32, #tpu.memory_space<hbm>>
        tpu.wait_dma2 semaphore(%arg19 : memref<!tpu.dma_semaphore, #tpu.memory_space<semaphore_mem>>) src(%dma_wait3A_427 : memref<128xi32, #tpu.memory_space<hbm>>) dst(%arg9 : memref<128xi32, #tpu.memory_space<vmem>>)
        %dma_wait3A_428 = arith.constant 0 : i32
        %dma_wait3A_429 = tpu.memref_slice %arg3[%dma_wait3A_428] : memref<640000xi32, #tpu.memory_space<hbm>> -> memref<128xi32, #tpu.memory_space<hbm>>
        %dma_wait3A_430 = arith.constant 0 : i32
        %dma_wait3A_431 = tpu.memref_slice %arg3[%dma_wait3A_430] : memref<640000xi32, #tpu.memory_space<hbm>> -> memref<128xi32, #tpu.memory_space<hbm>>
        tpu.wait_dma2 semaphore(%arg19 : memref<!tpu.dma_semaphore, #tpu.memory_space<semaphore_mem>>) src(%dma_wait3A_431 : memref<128xi32, #tpu.memory_space<hbm>>) dst(%arg11 : memref<128xi32, #tpu.memory_space<vmem>>)
        %get3A_432 = arith.constant 0 : index
        %get3A_433 = tpu.vector_load %arg9[%get3A_432] {strides = array<i32>} : memref<128xi32, #tpu.memory_space<vmem>>, vector<16xi32>,
        %get3A_434 = vector.shape_cast %get3A_433 : vector<16xi32> to vector<16xi32>
        %mul3A_435 = arith.constant 10000 : i32
        %mul3A_436 = vector.broadcast %mul3A_435 : i32 to vector<16xi32>
        %mul3A_437 = arith.muli %get3A_434, %mul3A_436 : vector<16xi32>
        %get3A_438 = arith.constant 0 : index
        %get3A_439 = tpu.vector_load %arg7[%get3A_438] {strides = array<i32>} : memref<128xi32, #tpu.memory_space<vmem>>, vector<16xi32>,
        %get3A_440 = vector.shape_cast %get3A_439 : vector<16xi32> to vector<16xi32>
        %add3A_441 = arith.addi %mul3A_437, %get3A_440 : vector<16xi32>
        %swap3A_442 = arith.constant 0 : index
        %swap3A_443 = tpu.vector_load %arg13[%swap3A_442] {strides = array<i32>} : memref<128xi32, #tpu.memory_space<vmem>>, vector<16xi32>,
        %swap3A_444 = vector.shape_cast %swap3A_443 : vector<16xi32> to vector<16xi32>
        %swap3A_445 = vector.shape_cast %add3A_441 : vector<16xi32> to vector<16xi32>
        tpu.vector_store %arg13[%swap3A_442], %swap3A_445 {strides = array<i32>} : memref<128xi32, #tpu.memory_space<vmem>>, vector<16xi32>,
        %get3A_446 = arith.constant 0 : index
        %get3A_447 = tpu.vector_load %arg11[%get3A_446] {strides = array<i32>} : memref<128xi32, #tpu.memory_space<vmem>>, vector<16xi32>,
        %get3A_448 = vector.shape_cast %get3A_447 : vector<16xi32> to vector<16xi32>
        %swap3A_449 = arith.constant 0 : index
        %swap3A_450 = tpu.vector_load %arg15[%swap3A_449] {strides = array<i32>} : memref<128xi32, #tpu.memory_space<vmem>>, vector<16xi32>,
        %swap3A_451 = vector.shape_cast %swap3A_450 : vector<16xi32> to vector<16xi32>
        %swap3A_452 = vector.shape_cast %get3A_448 : vector<16xi32> to vector<16xi32>
        tpu.vector_store %arg15[%swap3A_449], %swap3A_452 {strides = array<i32>} : memref<128xi32, #tpu.memory_space<vmem>>, vector<16xi32>,
        %get3A_453 = arith.constant 16 : index
        %get3A_454 = tpu.vector_load %arg9[%get3A_453] {strides = array<i32>} : memref<128xi32, #tpu.memory_space<vmem>>, vector<16xi32>,
        %get3A_455 = vector.shape_cast %get3A_454 : vector<16xi32> to vector<16xi32>
        %mul3A_456 = arith.constant 10000 : i32
        %mul3A_457 = vector.broadcast %mul3A_456 : i32 to vector<16xi32>
        %mul3A_458 = arith.muli %get3A_455, %mul3A_457 : vector<16xi32>
        %get3A_459 = arith.constant 16 : index
        %get3A_460 = tpu.vector_load %arg7[%get3A_459] {strides = array<i32>} : memref<128xi32, #tpu.memory_space<vmem>>, vector<16xi32>,
        %get3A_461 = vector.shape_cast %get3A_460 : vector<16xi32> to vector<16xi32>
        %add3A_462 = arith.addi %mul3A_458, %get3A_461 : vector<16xi32>
        %swap3A_463 = arith.constant 16 : index
        %swap3A_464 = tpu.vector_load %arg13[%swap3A_463] {strides = array<i32>} : memref<128xi32, #tpu.memory_space<vmem>>, vector<16xi32>,
        %swap3A_465 = vector.shape_cast %swap3A_464 : vector<16xi32> to vector<16xi32>
        %swap3A_466 = vector.shape_cast %add3A_462 : vector<16xi32> to vector<16xi32>
        tpu.vector_store %arg13[%swap3A_463], %swap3A_466 {strides = array<i32>} : memref<128xi32, #tpu.memory_space<vmem>>, vector<16xi32>,
        %get3A_467 = arith.constant 16 : index
        %get3A_468 = tpu.vector_load %arg11[%get3A_467] {strides = array<i32>} : memref<128xi32, #tpu.memory_space<vmem>>, vector<16xi32>,
        %get3A_469 = vector.shape_cast %get3A_468 : vector<16xi32> to vector<16xi32>
        %swap3A_470 = arith.constant 16 : index
        %swap3A_471 = tpu.vector_load %arg15[%swap3A_470] {strides = array<i32>} : memref<128xi32, #tpu.memory_space<vmem>>, vector<16xi32>,
        %swap3A_472 = vector.shape_cast %swap3A_471 : vector<16xi32> to vector<16xi32>
        %swap3A_473 = vector.shape_cast %get3A_469 : vector<16xi32> to vector<16xi32>
        tpu.vector_store %arg15[%swap3A_470], %swap3A_473 {strides = array<i32>} : memref<128xi32, #tpu.memory_space<vmem>>, vector<16xi32>,
        %get3A_474 = arith.constant 32 : index
        %get3A_475 = tpu.vector_load %arg9[%get3A_474] {strides = array<i32>} : memref<128xi32, #tpu.memory_space<vmem>>, vector<16xi32>,
        %get3A_476 = vector.shape_cast %get3A_475 : vector<16xi32> to vector<16xi32>
        %mul3A_477 = arith.constant 10000 : i32
        %mul3A_478 = vector.broadcast %mul3A_477 : i32 to vector<16xi32>
        %mul3A_479 = arith.muli %get3A_476, %mul3A_478 : vector<16xi32>
        %get3A_480 = arith.constant 32 : index
        %get3A_481 = tpu.vector_load %arg7[%get3A_480] {strides = array<i32>} : memref<128xi32, #tpu.memory_space<vmem>>, vector<16xi32>,
        %get3A_482 = vector.shape_cast %get3A_481 : vector<16xi32> to vector<16xi32>
        %add3A_483 = arith.addi %mul3A_479, %get3A_482 : vector<16xi32>
        %swap3A_484 = arith.constant 32 : index
        %swap3A_485 = tpu.vector_load %arg13[%swap3A_484] {strides = array<i32>} : memref<128xi32, #tpu.memory_space<vmem>>, vector<16xi32>,
        %swap3A_486 = vector.shape_cast %swap3A_485 : vector<16xi32> to vector<16xi32>
        %swap3A_487 = vector.shape_cast %add3A_483 : vector<16xi32> to vector<16xi32>
        tpu.vector_store %arg13[%swap3A_484], %swap3A_487 {strides = array<i32>} : memref<128xi32, #tpu.memory_space<vmem>>, vector<16xi32>,
        %get3A_488 = arith.constant 32 : index
        %get3A_489 = tpu.vector_load %arg11[%get3A_488] {strides = array<i32>} : memref<128xi32, #tpu.memory_space<vmem>>, vector<16xi32>,
        %get3A_490 = vector.shape_cast %get3A_489 : vector<16xi32> to vector<16xi32>
        %swap3A_491 = arith.constant 32 : index
        %swap3A_492 = tpu.vector_load %arg15[%swap3A_491] {strides = array<i32>} : memref<128xi32, #tpu.memory_space<vmem>>, vector<16xi32>,
        %swap3A_493 = vector.shape_cast %swap3A_492 : vector<16xi32> to vector<16xi32>
        %swap3A_494 = vector.shape_cast %get3A_490 : vector<16xi32> to vector<16xi32>
        tpu.vector_store %arg15[%swap3A_491], %swap3A_494 {strides = array<i32>} : memref<128xi32, #tpu.memory_space<vmem>>, vector<16xi32>,
        %get3A_495 = arith.constant 48 : index
        %get3A_496 = tpu.vector_load %arg9[%get3A_495] {strides = array<i32>} : memref<128xi32, #tpu.memory_space<vmem>>, vector<16xi32>,
        %get3A_497 = vector.shape_cast %get3A_496 : vector<16xi32> to vector<16xi32>
        %mul3A_498 = arith.constant 10000 : i32
        %mul3A_499 = vector.broadcast %mul3A_498 : i32 to vector<16xi32>
        %mul3A_500 = arith.muli %get3A_497, %mul3A_499 : vector<16xi32>
        %get3A_501 = arith.constant 48 : index
        %get3A_502 = tpu.vector_load %arg7[%get3A_501] {strides = array<i32>} : memref<128xi32, #tpu.memory_space<vmem>>, vector<16xi32>,
        %get3A_503 = vector.shape_cast %get3A_502 : vector<16xi32> to vector<16xi32>
        %add3A_504 = arith.addi %mul3A_500, %get3A_503 : vector<16xi32>
        %swap3A_505 = arith.constant 48 : index
        %swap3A_506 = tpu.vector_load %arg13[%swap3A_505] {strides = array<i32>} : memref<128xi32, #tpu.memory_space<vmem>>, vector<16xi32>,
        %swap3A_507 = vector.shape_cast %swap3A_506 : vector<16xi32> to vector<16xi32>
        %swap3A_508 = vector.shape_cast %add3A_504 : vector<16xi32> to vector<16xi32>
        tpu.vector_store %arg13[%swap3A_505], %swap3A_508 {strides = array<i32>} : memref<128xi32, #tpu.memory_space<vmem>>, vector<16xi32>,
        %get3A_509 = arith.constant 48 : index
        %get3A_510 = tpu.vector_load %arg11[%get3A_509] {strides = array<i32>} : memref<128xi32, #tpu.memory_space<vmem>>, vector<16xi32>,
        %get3A_511 = vector.shape_cast %get3A_510 : vector<16xi32> to vector<16xi32>
        %swap3A_512 = arith.constant 48 : index
        %swap3A_513 = tpu.vector_load %arg15[%swap3A_512] {strides = array<i32>} : memref<128xi32, #tpu.memory_space<vmem>>, vector<16xi32>,
        %swap3A_514 = vector.shape_cast %swap3A_513 : vector<16xi32> to vector<16xi32>
        %swap3A_515 = vector.shape_cast %get3A_511 : vector<16xi32> to vector<16xi32>
        tpu.vector_store %arg15[%swap3A_512], %swap3A_515 {strides = array<i32>} : memref<128xi32, #tpu.memory_space<vmem>>, vector<16xi32>,
        %get3A_516 = arith.constant 64 : index
        %get3A_517 = tpu.vector_load %arg9[%get3A_516] {strides = array<i32>} : memref<128xi32, #tpu.memory_space<vmem>>, vector<16xi32>,
        %get3A_518 = vector.shape_cast %get3A_517 : vector<16xi32> to vector<16xi32>
        %mul3A_519 = arith.constant 10000 : i32
        %mul3A_520 = vector.broadcast %mul3A_519 : i32 to vector<16xi32>
        %mul3A_521 = arith.muli %get3A_518, %mul3A_520 : vector<16xi32>
        %get3A_522 = arith.constant 64 : index
        %get3A_523 = tpu.vector_load %arg7[%get3A_522] {strides = array<i32>} : memref<128xi32, #tpu.memory_space<vmem>>, vector<16xi32>,
        %get3A_524 = vector.shape_cast %get3A_523 : vector<16xi32> to vector<16xi32>
        %add3A_525 = arith.addi %mul3A_521, %get3A_524 : vector<16xi32>
        %swap3A_526 = arith.constant 64 : index
        %swap3A_527 = tpu.vector_load %arg13[%swap3A_526] {strides = array<i32>} : memref<128xi32, #tpu.memory_space<vmem>>, vector<16xi32>,
        %swap3A_528 = vector.shape_cast %swap3A_527 : vector<16xi32> to vector<16xi32>
        %swap3A_529 = vector.shape_cast %add3A_525 : vector<16xi32> to vector<16xi32>
        tpu.vector_store %arg13[%swap3A_526], %swap3A_529 {strides = array<i32>} : memref<128xi32, #tpu.memory_space<vmem>>, vector<16xi32>,
        %get3A_530 = arith.constant 64 : index
        %get3A_531 = tpu.vector_load %arg11[%get3A_530] {strides = array<i32>} : memref<128xi32, #tpu.memory_space<vmem>>, vector<16xi32>,
        %get3A_532 = vector.shape_cast %get3A_531 : vector<16xi32> to vector<16xi32>
        %swap3A_533 = arith.constant 64 : index
        %swap3A_534 = tpu.vector_load %arg15[%swap3A_533] {strides = array<i32>} : memref<128xi32, #tpu.memory_space<vmem>>, vector<16xi32>,
        %swap3A_535 = vector.shape_cast %swap3A_534 : vector<16xi32> to vector<16xi32>
        %swap3A_536 = vector.shape_cast %get3A_532 : vector<16xi32> to vector<16xi32>
        tpu.vector_store %arg15[%swap3A_533], %swap3A_536 {strides = array<i32>} : memref<128xi32, #tpu.memory_space<vmem>>, vector<16xi32>,
        %get3A_537 = arith.constant 80 : index
        %get3A_538 = tpu.vector_load %arg9[%get3A_537] {strides = array<i32>} : memref<128xi32, #tpu.memory_space<vmem>>, vector<16xi32>,
        %get3A_539 = vector.shape_cast %get3A_538 : vector<16xi32> to vector<16xi32>
        %mul3A_540 = arith.constant 10000 : i32
        %mul3A_541 = vector.broadcast %mul3A_540 : i32 to vector<16xi32>
        %mul3A_542 = arith.muli %get3A_539, %mul3A_541 : vector<16xi32>
        %get3A_543 = arith.constant 80 : index
        %get3A_544 = tpu.vector_load %arg7[%get3A_543] {strides = array<i32>} : memref<128xi32, #tpu.memory_space<vmem>>, vector<16xi32>,
        %get3A_545 = vector.shape_cast %get3A_544 : vector<16xi32> to vector<16xi32>
        %add3A_546 = arith.addi %mul3A_542, %get3A_545 : vector<16xi32>
        %swap3A_547 = arith.constant 80 : index
        %swap3A_548 = tpu.vector_load %arg13[%swap3A_547] {strides = array<i32>} : memref<128xi32, #tpu.memory_space<vmem>>, vector<16xi32>,
        %swap3A_549 = vector.shape_cast %swap3A_548 : vector<16xi32> to vector<16xi32>
        %swap3A_550 = vector.shape_cast %add3A_546 : vector<16xi32> to vector<16xi32>
        tpu.vector_store %arg13[%swap3A_547], %swap3A_550 {strides = array<i32>} : memref<128xi32, #tpu.memory_space<vmem>>, vector<16xi32>,
        %get3A_551 = arith.constant 80 : index
        %get3A_552 = tpu.vector_load %arg11[%get3A_551] {strides = array<i32>} : memref<128xi32, #tpu.memory_space<vmem>>, vector<16xi32>,
        %get3A_553 = vector.shape_cast %get3A_552 : vector<16xi32> to vector<16xi32>
        %swap3A_554 = arith.constant 80 : index
        %swap3A_555 = tpu.vector_load %arg15[%swap3A_554] {strides = array<i32>} : memref<128xi32, #tpu.memory_space<vmem>>, vector<16xi32>,
        %swap3A_556 = vector.shape_cast %swap3A_555 : vector<16xi32> to vector<16xi32>
        %swap3A_557 = vector.shape_cast %get3A_553 : vector<16xi32> to vector<16xi32>
        tpu.vector_store %arg15[%swap3A_554], %swap3A_557 {strides = array<i32>} : memref<128xi32, #tpu.memory_space<vmem>>, vector<16xi32>,
        %get3A_558 = arith.constant 96 : index
        %get3A_559 = tpu.vector_load %arg9[%get3A_558] {strides = array<i32>} : memref<128xi32, #tpu.memory_space<vmem>>, vector<16xi32>,
        %get3A_560 = vector.shape_cast %get3A_559 : vector<16xi32> to vector<16xi32>
        %mul3A_561 = arith.constant 10000 : i32
        %mul3A_562 = vector.broadcast %mul3A_561 : i32 to vector<16xi32>
        %mul3A_563 = arith.muli %get3A_560, %mul3A_562 : vector<16xi32>
        %get3A_564 = arith.constant 96 : index
        %get3A_565 = tpu.vector_load %arg7[%get3A_564] {strides = array<i32>} : memref<128xi32, #tpu.memory_space<vmem>>, vector<16xi32>,
        %get3A_566 = vector.shape_cast %get3A_565 : vector<16xi32> to vector<16xi32>
        %add3A_567 = arith.addi %mul3A_563, %get3A_566 : vector<16xi32>
        %swap3A_568 = arith.constant 96 : index
        %swap3A_569 = tpu.vector_load %arg13[%swap3A_568] {strides = array<i32>} : memref<128xi32, #tpu.memory_space<vmem>>, vector<16xi32>,
        %swap3A_570 = vector.shape_cast %swap3A_569 : vector<16xi32> to vector<16xi32>
        %swap3A_571 = vector.shape_cast %add3A_567 : vector<16xi32> to vector<16xi32>
        tpu.vector_store %arg13[%swap3A_568], %swap3A_571 {strides = array<i32>} : memref<128xi32, #tpu.memory_space<vmem>>, vector<16xi32>,
        %get3A_572 = arith.constant 96 : index
        %get3A_573 = tpu.vector_load %arg11[%get3A_572] {strides = array<i32>} : memref<128xi32, #tpu.memory_space<vmem>>, vector<16xi32>,
        %get3A_574 = vector.shape_cast %get3A_573 : vector<16xi32> to vector<16xi32>
        %swap3A_575 = arith.constant 96 : index
        %swap3A_576 = tpu.vector_load %arg15[%swap3A_575] {strides = array<i32>} : memref<128xi32, #tpu.memory_space<vmem>>, vector<16xi32>,
        %swap3A_577 = vector.shape_cast %swap3A_576 : vector<16xi32> to vector<16xi32>
        %swap3A_578 = vector.shape_cast %get3A_574 : vector<16xi32> to vector<16xi32>
        tpu.vector_store %arg15[%swap3A_575], %swap3A_578 {strides = array<i32>} : memref<128xi32, #tpu.memory_space<vmem>>, vector<16xi32>,
        %get3A_579 = arith.constant 112 : index
        %get3A_580 = tpu.vector_load %arg9[%get3A_579] {strides = array<i32>} : memref<128xi32, #tpu.memory_space<vmem>>, vector<16xi32>,
        %get3A_581 = vector.shape_cast %get3A_580 : vector<16xi32> to vector<16xi32>
        %mul3A_582 = arith.constant 10000 : i32
        %mul3A_583 = vector.broadcast %mul3A_582 : i32 to vector<16xi32>
        %mul3A_584 = arith.muli %get3A_581, %mul3A_583 : vector<16xi32>
        %get3A_585 = arith.constant 112 : index
        %get3A_586 = tpu.vector_load %arg7[%get3A_585] {strides = array<i32>} : memref<128xi32, #tpu.memory_space<vmem>>, vector<16xi32>,
        %get3A_587 = vector.shape_cast %get3A_586 : vector<16xi32> to vector<16xi32>
        %add3A_588 = arith.addi %mul3A_584, %get3A_587 : vector<16xi32>
        %swap3A_589 = arith.constant 112 : index
        %swap3A_590 = tpu.vector_load %arg13[%swap3A_589] {strides = array<i32>} : memref<128xi32, #tpu.memory_space<vmem>>, vector<16xi32>,
        %swap3A_591 = vector.shape_cast %swap3A_590 : vector<16xi32> to vector<16xi32>
        %swap3A_592 = vector.shape_cast %add3A_588 : vector<16xi32> to vector<16xi32>
        tpu.vector_store %arg13[%swap3A_589], %swap3A_592 {strides = array<i32>} : memref<128xi32, #tpu.memory_space<vmem>>, vector<16xi32>,
        %get3A_593 = arith.constant 112 : index
        %get3A_594 = tpu.vector_load %arg11[%get3A_593] {strides = array<i32>} : memref<128xi32, #tpu.memory_space<vmem>>, vector<16xi32>,
        %get3A_595 = vector.shape_cast %get3A_594 : vector<16xi32> to vector<16xi32>
        %swap3A_596 = arith.constant 112 : index
        %swap3A_597 = tpu.vector_load %arg15[%swap3A_596] {strides = array<i32>} : memref<128xi32, #tpu.memory_space<vmem>>, vector<16xi32>,
        %swap3A_598 = vector.shape_cast %swap3A_597 : vector<16xi32> to vector<16xi32>
        %swap3A_599 = vector.shape_cast %get3A_595 : vector<16xi32> to vector<16xi32>
        tpu.vector_store %arg15[%swap3A_596], %swap3A_599 {strides = array<i32>} : memref<128xi32, #tpu.memory_space<vmem>>, vector<16xi32>,
      } else {
      }
      %lt3A_355 = arith.constant 2500 : i32
      %lt3A_356 = arith.cmpi slt, %add3A_329, %lt3A_355 : i32
      %convert_element_type3A_357 = arith.extui %lt3A_356 : i1 to i32
      %cond3A_358 = arith.constant 0 : i32
      %cond3A_359 = arith.cmpi ne, %convert_element_type3A_357, %cond3A_358 : i32
      scf.if %cond3A_359 {
        %dma_wait3A_420 = arith.constant 0 : i32
        %dma_wait3A_421 = arith.constant 0 : i32
        %dma_wait3A_422 = tpu.memref_slice %arg2[%dma_wait3A_420, %dma_wait3A_421] : memref<40000x128xf32, #tpu.memory_space<hbm>> -> memref<40000x128xf32, #tpu.memory_space<hbm>>
        tpu.wait_indirect_dma semaphore(%arg20 : memref<!tpu.dma_semaphore, #tpu.memory_space<semaphore_mem>>) src(%dma_wait3A_422 : memref<40000x128xf32, #tpu.memory_space<hbm>>) dst(%arg16 : memref<128x128xf32, #tpu.memory_space<vmem>>)
        %dma_start3A_423 = arith.constant 0 : i32
        %dma_start3A_424 = arith.constant 0 : i32
        %dma_start3A_425 = tpu.memref_slice %arg18[%dma_start3A_423, %dma_start3A_424] : memref<10000x128xf32, #tpu.memory_space<vmem_shared>> -> memref<10000x128xf32, #tpu.memory_space<vmem_shared>>
        tpu.enqueue_indirect_dma source(%arg16 : memref<128x128xf32, #tpu.memory_space<vmem>>) target(%dma_start3A_425 : memref<10000x128xf32, #tpu.memory_space<vmem_shared>>) offsets(%arg14 : memref<128xi32, #tpu.memory_space<vmem>>) semaphore(%arg21 : memref<!tpu.dma_semaphore, #tpu.memory_space<semaphore_mem>>) {add = true}
      } else {
      }
      %lt3A_360 = arith.constant 2500 : i32
      %lt3A_361 = arith.cmpi slt, %add3A_334, %lt3A_360 : i32
      %convert_element_type3A_362 = arith.extui %lt3A_361 : i1 to i32
      %cond3A_363 = arith.constant 0 : i32
      %cond3A_364 = arith.cmpi ne, %convert_element_type3A_362, %cond3A_363 : i32
      scf.if %cond3A_364 {
        %dma_start3A_420 = arith.constant 0 : i32
        %dma_start3A_421 = arith.constant 0 : i32
        %dma_start3A_422 = tpu.memref_slice %arg2[%dma_start3A_420, %dma_start3A_421] : memref<40000x128xf32, #tpu.memory_space<hbm>> -> memref<40000x128xf32, #tpu.memory_space<hbm>>
        tpu.enqueue_indirect_dma source(%dma_start3A_422 : memref<40000x128xf32, #tpu.memory_space<hbm>>) target(%arg17 : memref<128x128xf32, #tpu.memory_space<vmem>>) offsets(%arg13 : memref<128xi32, #tpu.memory_space<vmem>>) semaphore(%arg20 : memref<!tpu.dma_semaphore, #tpu.memory_space<semaphore_mem>>)
      } else {
      }
      %lt3A_365 = arith.constant 2500 : i32
      %lt3A_366 = arith.cmpi slt, %add3A_339, %lt3A_365 : i32
      %convert_element_type3A_367 = arith.extui %lt3A_366 : i1 to i32
      %cond3A_368 = arith.constant 0 : i32
      %cond3A_369 = arith.cmpi ne, %convert_element_type3A_367, %cond3A_368 : i32
      scf.if %cond3A_369 {
        %mul3A_420 = arith.constant 128 : i32
        %mul3A_421 = arith.muli %add3A_339, %mul3A_420 : i32
        %dma_start3A_422 = tpu.memref_slice %arg3[%mul3A_421] : memref<640000xi32, #tpu.memory_space<hbm>> -> memref<128xi32, #tpu.memory_space<hbm>>
        %dma_start3A_423 = tpu.memref_slice %arg3[%mul3A_421] : memref<640000xi32, #tpu.memory_space<hbm>> -> memref<128xi32, #tpu.memory_space<hbm>>
        tpu.enqueue_dma source(%dma_start3A_423 : memref<128xi32, #tpu.memory_space<hbm>>) target(%arg6 : memref<128xi32, #tpu.memory_space<vmem>>) target_semaphore(%arg19 : memref<!tpu.dma_semaphore, #tpu.memory_space<semaphore_mem>>)
        %dma_start3A_424 = tpu.memref_slice %arg4[%mul3A_421] : memref<320000xi32, #tpu.memory_space<hbm>> -> memref<128xi32, #tpu.memory_space<hbm>>
        %dma_start3A_425 = tpu.memref_slice %arg4[%mul3A_421] : memref<320000xi32, #tpu.memory_space<hbm>> -> memref<128xi32, #tpu.memory_space<hbm>>
        tpu.enqueue_dma source(%dma_start3A_425 : memref<128xi32, #tpu.memory_space<hbm>>) target(%arg8 : memref<128xi32, #tpu.memory_space<vmem>>) target_semaphore(%arg19 : memref<!tpu.dma_semaphore, #tpu.memory_space<semaphore_mem>>)
        %add3A_426 = arith.constant 320000 : i32
        %add3A_427 = arith.addi %add3A_426, %mul3A_421 : i32
        %dma_start3A_428 = tpu.memref_slice %arg3[%add3A_427] : memref<640000xi32, #tpu.memory_space<hbm>> -> memref<128xi32, #tpu.memory_space<hbm>>
        %dma_start3A_429 = tpu.memref_slice %arg3[%add3A_427] : memref<640000xi32, #tpu.memory_space<hbm>> -> memref<128xi32, #tpu.memory_space<hbm>>
        tpu.enqueue_dma source(%dma_start3A_429 : memref<128xi32, #tpu.memory_space<hbm>>) target(%arg10 : memref<128xi32, #tpu.memory_space<vmem>>) target_semaphore(%arg19 : memref<!tpu.dma_semaphore, #tpu.memory_space<semaphore_mem>>)
      } else {
      }
      %mul3A_370 = arith.constant 2 : i32
      %mul3A_371 = arith.muli %mul3A_370, %scan3A_324 : i32
      %add3A_372 = arith.constant 1 : i32
      %add3A_373 = arith.addi %mul3A_371, %add3A_372 : i32
      %mul3A_374 = arith.constant 32 : i32
      %mul3A_375 = arith.muli %add3A_373, %mul3A_374 : i32
      %add3A_376 = arith.addi %add3A, %mul3A_375 : i32
      %add3A_377 = arith.constant 1 : i32
      %add3A_378 = arith.addi %add3A_373, %add3A_377 : i32
      %mul3A_379 = arith.constant 32 : i32
      %mul3A_380 = arith.muli %add3A_378, %mul3A_379 : i32
      %add3A_381 = arith.addi %add3A, %mul3A_380 : i32
      %add3A_382 = arith.constant 2 : i32
      %add3A_383 = arith.addi %add3A_373, %add3A_382 : i32
      %mul3A_384 = arith.constant 32 : i32
      %mul3A_385 = arith.muli %add3A_383, %mul3A_384 : i32
      %add3A_386 = arith.addi %add3A, %mul3A_385 : i32
      %ge3A_387 = arith.constant 1 : i32
      %ge3A_388 = arith.cmpi sge, %add3A_373, %ge3A_387 : i32
      %sub3A_389 = arith.constant 1 : i32
      %sub3A_390 = arith.subi %add3A_373, %sub3A_389 : i32
      %mul3A_391 = arith.constant 32 : i32
      %mul3A_392 = arith.muli %sub3A_390, %mul3A_391 : i32
      %add3A_393 = arith.addi %add3A, %mul3A_392 : i32
      %lt3A_394 = arith.constant 2500 : i32
      %lt3A_395 = arith.cmpi slt, %add3A_393, %lt3A_394 : i32
      %and3A_396 = arith.andi %ge3A_388, %lt3A_395 : i1
      %convert_element_type3A_397 = arith.extui %and3A_396 : i1 to i32
      %cond3A_398 = arith.constant 0 : i32
      %cond3A_399 = arith.cmpi ne, %convert_element_type3A_397, %cond3A_398 : i32
      scf.if %cond3A_399 {
        %dma_wait3A_420 = arith.constant 0 : i32
        %dma_wait3A_421 = arith.constant 0 : i32
        %dma_wait3A_422 = tpu.memref_slice %arg18[%dma_wait3A_420, %dma_wait3A_421] : memref<10000x128xf32, #tpu.memory_space<vmem_shared>> -> memref<10000x128xf32, #tpu.memory_space<vmem_shared>>
        tpu.wait_indirect_dma semaphore(%arg21 : memref<!tpu.dma_semaphore, #tpu.memory_space<semaphore_mem>>) src(%arg16 : memref<128x128xf32, #tpu.memory_space<vmem>>) dst(%dma_wait3A_422 : memref<10000x128xf32, #tpu.memory_space<vmem_shared>>)
      } else {
      }
      %lt3A_400 = arith.constant 2500 : i32
      %lt3A_401 = arith.cmpi slt, %add3A_381, %lt3A_400 : i32
      %convert_element_type3A_402 = arith.extui %lt3A_401 : i1 to i32
      %cond3A_403 = arith.constant 0 : i32
      %cond3A_404 = arith.cmpi ne, %convert_element_type3A_402, %cond3A_403 : i32
      scf.if %cond3A_404 {
        %dma_wait3A_420 = arith.constant 0 : i32
        %dma_wait3A_421 = tpu.memref_slice %arg3[%dma_wait3A_420] : memref<640000xi32, #tpu.memory_space<hbm>> -> memref<128xi32, #tpu.memory_space<hbm>>
        %dma_wait3A_422 = arith.constant 0 : i32
        %dma_wait3A_423 = tpu.memref_slice %arg3[%dma_wait3A_422] : memref<640000xi32, #tpu.memory_space<hbm>> -> memref<128xi32, #tpu.memory_space<hbm>>
        tpu.wait_dma2 semaphore(%arg19 : memref<!tpu.dma_semaphore, #tpu.memory_space<semaphore_mem>>) src(%dma_wait3A_423 : memref<128xi32, #tpu.memory_space<hbm>>) dst(%arg6 : memref<128xi32, #tpu.memory_space<vmem>>)
        %dma_wait3A_424 = arith.constant 0 : i32
        %dma_wait3A_425 = tpu.memref_slice %arg4[%dma_wait3A_424] : memref<320000xi32, #tpu.memory_space<hbm>> -> memref<128xi32, #tpu.memory_space<hbm>>
        %dma_wait3A_426 = arith.constant 0 : i32
        %dma_wait3A_427 = tpu.memref_slice %arg4[%dma_wait3A_426] : memref<320000xi32, #tpu.memory_space<hbm>> -> memref<128xi32, #tpu.memory_space<hbm>>
        tpu.wait_dma2 semaphore(%arg19 : memref<!tpu.dma_semaphore, #tpu.memory_space<semaphore_mem>>) src(%dma_wait3A_427 : memref<128xi32, #tpu.memory_space<hbm>>) dst(%arg8 : memref<128xi32, #tpu.memory_space<vmem>>)
        %dma_wait3A_428 = arith.constant 0 : i32
        %dma_wait3A_429 = tpu.memref_slice %arg3[%dma_wait3A_428] : memref<640000xi32, #tpu.memory_space<hbm>> -> memref<128xi32, #tpu.memory_space<hbm>>
        %dma_wait3A_430 = arith.constant 0 : i32
        %dma_wait3A_431 = tpu.memref_slice %arg3[%dma_wait3A_430] : memref<640000xi32, #tpu.memory_space<hbm>> -> memref<128xi32, #tpu.memory_space<hbm>>
        tpu.wait_dma2 semaphore(%arg19 : memref<!tpu.dma_semaphore, #tpu.memory_space<semaphore_mem>>) src(%dma_wait3A_431 : memref<128xi32, #tpu.memory_space<hbm>>) dst(%arg10 : memref<128xi32, #tpu.memory_space<vmem>>)
        %get3A_432 = arith.constant 0 : index
        %get3A_433 = tpu.vector_load %arg8[%get3A_432] {strides = array<i32>} : memref<128xi32, #tpu.memory_space<vmem>>, vector<16xi32>,
        %get3A_434 = vector.shape_cast %get3A_433 : vector<16xi32> to vector<16xi32>
        %mul3A_435 = arith.constant 10000 : i32
        %mul3A_436 = vector.broadcast %mul3A_435 : i32 to vector<16xi32>
        %mul3A_437 = arith.muli %get3A_434, %mul3A_436 : vector<16xi32>
        %get3A_438 = arith.constant 0 : index
        %get3A_439 = tpu.vector_load %arg6[%get3A_438] {strides = array<i32>} : memref<128xi32, #tpu.memory_space<vmem>>, vector<16xi32>,
        %get3A_440 = vector.shape_cast %get3A_439 : vector<16xi32> to vector<16xi32>
        %add3A_441 = arith.addi %mul3A_437, %get3A_440 : vector<16xi32>
        %swap3A_442 = arith.constant 0 : index
        %swap3A_443 = tpu.vector_load %arg12[%swap3A_442] {strides = array<i32>} : memref<128xi32, #tpu.memory_space<vmem>>, vector<16xi32>,
        %swap3A_444 = vector.shape_cast %swap3A_443 : vector<16xi32> to vector<16xi32>
        %swap3A_445 = vector.shape_cast %add3A_441 : vector<16xi32> to vector<16xi32>
        tpu.vector_store %arg12[%swap3A_442], %swap3A_445 {strides = array<i32>} : memref<128xi32, #tpu.memory_space<vmem>>, vector<16xi32>,
        %get3A_446 = arith.constant 0 : index
        %get3A_447 = tpu.vector_load %arg10[%get3A_446] {strides = array<i32>} : memref<128xi32, #tpu.memory_space<vmem>>, vector<16xi32>,
        %get3A_448 = vector.shape_cast %get3A_447 : vector<16xi32> to vector<16xi32>
        %swap3A_449 = arith.constant 0 : index
        %swap3A_450 = tpu.vector_load %arg14[%swap3A_449] {strides = array<i32>} : memref<128xi32, #tpu.memory_space<vmem>>, vector<16xi32>,
        %swap3A_451 = vector.shape_cast %swap3A_450 : vector<16xi32> to vector<16xi32>
        %swap3A_452 = vector.shape_cast %get3A_448 : vector<16xi32> to vector<16xi32>
        tpu.vector_store %arg14[%swap3A_449], %swap3A_452 {strides = array<i32>} : memref<128xi32, #tpu.memory_space<vmem>>, vector<16xi32>,
        %get3A_453 = arith.constant 16 : index
        %get3A_454 = tpu.vector_load %arg8[%get3A_453] {strides = array<i32>} : memref<128xi32, #tpu.memory_space<vmem>>, vector<16xi32>,
        %get3A_455 = vector.shape_cast %get3A_454 : vector<16xi32> to vector<16xi32>
        %mul3A_456 = arith.constant 10000 : i32
        %mul3A_457 = vector.broadcast %mul3A_456 : i32 to vector<16xi32>
        %mul3A_458 = arith.muli %get3A_455, %mul3A_457 : vector<16xi32>
        %get3A_459 = arith.constant 16 : index
        %get3A_460 = tpu.vector_load %arg6[%get3A_459] {strides = array<i32>} : memref<128xi32, #tpu.memory_space<vmem>>, vector<16xi32>,
        %get3A_461 = vector.shape_cast %get3A_460 : vector<16xi32> to vector<16xi32>
        %add3A_462 = arith.addi %mul3A_458, %get3A_461 : vector<16xi32>
        %swap3A_463 = arith.constant 16 : index
        %swap3A_464 = tpu.vector_load %arg12[%swap3A_463] {strides = array<i32>} : memref<128xi32, #tpu.memory_space<vmem>>, vector<16xi32>,
        %swap3A_465 = vector.shape_cast %swap3A_464 : vector<16xi32> to vector<16xi32>
        %swap3A_466 = vector.shape_cast %add3A_462 : vector<16xi32> to vector<16xi32>
        tpu.vector_store %arg12[%swap3A_463], %swap3A_466 {strides = array<i32>} : memref<128xi32, #tpu.memory_space<vmem>>, vector<16xi32>,
        %get3A_467 = arith.constant 16 : index
        %get3A_468 = tpu.vector_load %arg10[%get3A_467] {strides = array<i32>} : memref<128xi32, #tpu.memory_space<vmem>>, vector<16xi32>,
        %get3A_469 = vector.shape_cast %get3A_468 : vector<16xi32> to vector<16xi32>
        %swap3A_470 = arith.constant 16 : index
        %swap3A_471 = tpu.vector_load %arg14[%swap3A_470] {strides = array<i32>} : memref<128xi32, #tpu.memory_space<vmem>>, vector<16xi32>,
        %swap3A_472 = vector.shape_cast %swap3A_471 : vector<16xi32> to vector<16xi32>
        %swap3A_473 = vector.shape_cast %get3A_469 : vector<16xi32> to vector<16xi32>
        tpu.vector_store %arg14[%swap3A_470], %swap3A_473 {strides = array<i32>} : memref<128xi32, #tpu.memory_space<vmem>>, vector<16xi32>,
        %get3A_474 = arith.constant 32 : index
        %get3A_475 = tpu.vector_load %arg8[%get3A_474] {strides = array<i32>} : memref<128xi32, #tpu.memory_space<vmem>>, vector<16xi32>,
        %get3A_476 = vector.shape_cast %get3A_475 : vector<16xi32> to vector<16xi32>
        %mul3A_477 = arith.constant 10000 : i32
        %mul3A_478 = vector.broadcast %mul3A_477 : i32 to vector<16xi32>
        %mul3A_479 = arith.muli %get3A_476, %mul3A_478 : vector<16xi32>
        %get3A_480 = arith.constant 32 : index
        %get3A_481 = tpu.vector_load %arg6[%get3A_480] {strides = array<i32>} : memref<128xi32, #tpu.memory_space<vmem>>, vector<16xi32>,
        %get3A_482 = vector.shape_cast %get3A_481 : vector<16xi32> to vector<16xi32>
        %add3A_483 = arith.addi %mul3A_479, %get3A_482 : vector<16xi32>
        %swap3A_484 = arith.constant 32 : index
        %swap3A_485 = tpu.vector_load %arg12[%swap3A_484] {strides = array<i32>} : memref<128xi32, #tpu.memory_space<vmem>>, vector<16xi32>,
        %swap3A_486 = vector.shape_cast %swap3A_485 : vector<16xi32> to vector<16xi32>
        %swap3A_487 = vector.shape_cast %add3A_483 : vector<16xi32> to vector<16xi32>
        tpu.vector_store %arg12[%swap3A_484], %swap3A_487 {strides = array<i32>} : memref<128xi32, #tpu.memory_space<vmem>>, vector<16xi32>,
        %get3A_488 = arith.constant 32 : index
        %get3A_489 = tpu.vector_load %arg10[%get3A_488] {strides = array<i32>} : memref<128xi32, #tpu.memory_space<vmem>>, vector<16xi32>,
        %get3A_490 = vector.shape_cast %get3A_489 : vector<16xi32> to vector<16xi32>
        %swap3A_491 = arith.constant 32 : index
        %swap3A_492 = tpu.vector_load %arg14[%swap3A_491] {strides = array<i32>} : memref<128xi32, #tpu.memory_space<vmem>>, vector<16xi32>,
        %swap3A_493 = vector.shape_cast %swap3A_492 : vector<16xi32> to vector<16xi32>
        %swap3A_494 = vector.shape_cast %get3A_490 : vector<16xi32> to vector<16xi32>
        tpu.vector_store %arg14[%swap3A_491], %swap3A_494 {strides = array<i32>} : memref<128xi32, #tpu.memory_space<vmem>>, vector<16xi32>,
        %get3A_495 = arith.constant 48 : index
        %get3A_496 = tpu.vector_load %arg8[%get3A_495] {strides = array<i32>} : memref<128xi32, #tpu.memory_space<vmem>>, vector<16xi32>,
        %get3A_497 = vector.shape_cast %get3A_496 : vector<16xi32> to vector<16xi32>
        %mul3A_498 = arith.constant 10000 : i32
        %mul3A_499 = vector.broadcast %mul3A_498 : i32 to vector<16xi32>
        %mul3A_500 = arith.muli %get3A_497, %mul3A_499 : vector<16xi32>
        %get3A_501 = arith.constant 48 : index
        %get3A_502 = tpu.vector_load %arg6[%get3A_501] {strides = array<i32>} : memref<128xi32, #tpu.memory_space<vmem>>, vector<16xi32>,
        %get3A_503 = vector.shape_cast %get3A_502 : vector<16xi32> to vector<16xi32>
        %add3A_504 = arith.addi %mul3A_500, %get3A_503 : vector<16xi32>
        %swap3A_505 = arith.constant 48 : index
        %swap3A_506 = tpu.vector_load %arg12[%swap3A_505] {strides = array<i32>} : memref<128xi32, #tpu.memory_space<vmem>>, vector<16xi32>,
        %swap3A_507 = vector.shape_cast %swap3A_506 : vector<16xi32> to vector<16xi32>
        %swap3A_508 = vector.shape_cast %add3A_504 : vector<16xi32> to vector<16xi32>
        tpu.vector_store %arg12[%swap3A_505], %swap3A_508 {strides = array<i32>} : memref<128xi32, #tpu.memory_space<vmem>>, vector<16xi32>,
        %get3A_509 = arith.constant 48 : index
        %get3A_510 = tpu.vector_load %arg10[%get3A_509] {strides = array<i32>} : memref<128xi32, #tpu.memory_space<vmem>>, vector<16xi32>,
        %get3A_511 = vector.shape_cast %get3A_510 : vector<16xi32> to vector<16xi32>
        %swap3A_512 = arith.constant 48 : index
        %swap3A_513 = tpu.vector_load %arg14[%swap3A_512] {strides = array<i32>} : memref<128xi32, #tpu.memory_space<vmem>>, vector<16xi32>,
        %swap3A_514 = vector.shape_cast %swap3A_513 : vector<16xi32> to vector<16xi32>
        %swap3A_515 = vector.shape_cast %get3A_511 : vector<16xi32> to vector<16xi32>
        tpu.vector_store %arg14[%swap3A_512], %swap3A_515 {strides = array<i32>} : memref<128xi32, #tpu.memory_space<vmem>>, vector<16xi32>,
        %get3A_516 = arith.constant 64 : index
        %get3A_517 = tpu.vector_load %arg8[%get3A_516] {strides = array<i32>} : memref<128xi32, #tpu.memory_space<vmem>>, vector<16xi32>,
        %get3A_518 = vector.shape_cast %get3A_517 : vector<16xi32> to vector<16xi32>
        %mul3A_519 = arith.constant 10000 : i32
        %mul3A_520 = vector.broadcast %mul3A_519 : i32 to vector<16xi32>
        %mul3A_521 = arith.muli %get3A_518, %mul3A_520 : vector<16xi32>
        %get3A_522 = arith.constant 64 : index
        %get3A_523 = tpu.vector_load %arg6[%get3A_522] {strides = array<i32>} : memref<128xi32, #tpu.memory_space<vmem>>, vector<16xi32>,
        %get3A_524 = vector.shape_cast %get3A_523 : vector<16xi32> to vector<16xi32>
        %add3A_525 = arith.addi %mul3A_521, %get3A_524 : vector<16xi32>
        %swap3A_526 = arith.constant 64 : index
        %swap3A_527 = tpu.vector_load %arg12[%swap3A_526] {strides = array<i32>} : memref<128xi32, #tpu.memory_space<vmem>>, vector<16xi32>,
        %swap3A_528 = vector.shape_cast %swap3A_527 : vector<16xi32> to vector<16xi32>
        %swap3A_529 = vector.shape_cast %add3A_525 : vector<16xi32> to vector<16xi32>
        tpu.vector_store %arg12[%swap3A_526], %swap3A_529 {strides = array<i32>} : memref<128xi32, #tpu.memory_space<vmem>>, vector<16xi32>,
        %get3A_530 = arith.constant 64 : index
        %get3A_531 = tpu.vector_load %arg10[%get3A_530] {strides = array<i32>} : memref<128xi32, #tpu.memory_space<vmem>>, vector<16xi32>,
        %get3A_532 = vector.shape_cast %get3A_531 : vector<16xi32> to vector<16xi32>
        %swap3A_533 = arith.constant 64 : index
        %swap3A_534 = tpu.vector_load %arg14[%swap3A_533] {strides = array<i32>} : memref<128xi32, #tpu.memory_space<vmem>>, vector<16xi32>,
        %swap3A_535 = vector.shape_cast %swap3A_534 : vector<16xi32> to vector<16xi32>
        %swap3A_536 = vector.shape_cast %get3A_532 : vector<16xi32> to vector<16xi32>
        tpu.vector_store %arg14[%swap3A_533], %swap3A_536 {strides = array<i32>} : memref<128xi32, #tpu.memory_space<vmem>>, vector<16xi32>,
        %get3A_537 = arith.constant 80 : index
        %get3A_538 = tpu.vector_load %arg8[%get3A_537] {strides = array<i32>} : memref<128xi32, #tpu.memory_space<vmem>>, vector<16xi32>,
        %get3A_539 = vector.shape_cast %get3A_538 : vector<16xi32> to vector<16xi32>
        %mul3A_540 = arith.constant 10000 : i32
        %mul3A_541 = vector.broadcast %mul3A_540 : i32 to vector<16xi32>
        %mul3A_542 = arith.muli %get3A_539, %mul3A_541 : vector<16xi32>
        %get3A_543 = arith.constant 80 : index
        %get3A_544 = tpu.vector_load %arg6[%get3A_543] {strides = array<i32>} : memref<128xi32, #tpu.memory_space<vmem>>, vector<16xi32>,
        %get3A_545 = vector.shape_cast %get3A_544 : vector<16xi32> to vector<16xi32>
        %add3A_546 = arith.addi %mul3A_542, %get3A_545 : vector<16xi32>
        %swap3A_547 = arith.constant 80 : index
        %swap3A_548 = tpu.vector_load %arg12[%swap3A_547] {strides = array<i32>} : memref<128xi32, #tpu.memory_space<vmem>>, vector<16xi32>,
        %swap3A_549 = vector.shape_cast %swap3A_548 : vector<16xi32> to vector<16xi32>
        %swap3A_550 = vector.shape_cast %add3A_546 : vector<16xi32> to vector<16xi32>
        tpu.vector_store %arg12[%swap3A_547], %swap3A_550 {strides = array<i32>} : memref<128xi32, #tpu.memory_space<vmem>>, vector<16xi32>,
        %get3A_551 = arith.constant 80 : index
        %get3A_552 = tpu.vector_load %arg10[%get3A_551] {strides = array<i32>} : memref<128xi32, #tpu.memory_space<vmem>>, vector<16xi32>,
        %get3A_553 = vector.shape_cast %get3A_552 : vector<16xi32> to vector<16xi32>
        %swap3A_554 = arith.constant 80 : index
        %swap3A_555 = tpu.vector_load %arg14[%swap3A_554] {strides = array<i32>} : memref<128xi32, #tpu.memory_space<vmem>>, vector<16xi32>,
        %swap3A_556 = vector.shape_cast %swap3A_555 : vector<16xi32> to vector<16xi32>
        %swap3A_557 = vector.shape_cast %get3A_553 : vector<16xi32> to vector<16xi32>
        tpu.vector_store %arg14[%swap3A_554], %swap3A_557 {strides = array<i32>} : memref<128xi32, #tpu.memory_space<vmem>>, vector<16xi32>,
        %get3A_558 = arith.constant 96 : index
        %get3A_559 = tpu.vector_load %arg8[%get3A_558] {strides = array<i32>} : memref<128xi32, #tpu.memory_space<vmem>>, vector<16xi32>,
        %get3A_560 = vector.shape_cast %get3A_559 : vector<16xi32> to vector<16xi32>
        %mul3A_561 = arith.constant 10000 : i32
        %mul3A_562 = vector.broadcast %mul3A_561 : i32 to vector<16xi32>
        %mul3A_563 = arith.muli %get3A_560, %mul3A_562 : vector<16xi32>
        %get3A_564 = arith.constant 96 : index
        %get3A_565 = tpu.vector_load %arg6[%get3A_564] {strides = array<i32>} : memref<128xi32, #tpu.memory_space<vmem>>, vector<16xi32>,
        %get3A_566 = vector.shape_cast %get3A_565 : vector<16xi32> to vector<16xi32>
        %add3A_567 = arith.addi %mul3A_563, %get3A_566 : vector<16xi32>
        %swap3A_568 = arith.constant 96 : index
        %swap3A_569 = tpu.vector_load %arg12[%swap3A_568] {strides = array<i32>} : memref<128xi32, #tpu.memory_space<vmem>>, vector<16xi32>,
        %swap3A_570 = vector.shape_cast %swap3A_569 : vector<16xi32> to vector<16xi32>
        %swap3A_571 = vector.shape_cast %add3A_567 : vector<16xi32> to vector<16xi32>
        tpu.vector_store %arg12[%swap3A_568], %swap3A_571 {strides = array<i32>} : memref<128xi32, #tpu.memory_space<vmem>>, vector<16xi32>,
        %get3A_572 = arith.constant 96 : index
        %get3A_573 = tpu.vector_load %arg10[%get3A_572] {strides = array<i32>} : memref<128xi32, #tpu.memory_space<vmem>>, vector<16xi32>,
        %get3A_574 = vector.shape_cast %get3A_573 : vector<16xi32> to vector<16xi32>
        %swap3A_575 = arith.constant 96 : index
        %swap3A_576 = tpu.vector_load %arg14[%swap3A_575] {strides = array<i32>} : memref<128xi32, #tpu.memory_space<vmem>>, vector<16xi32>,
        %swap3A_577 = vector.shape_cast %swap3A_576 : vector<16xi32> to vector<16xi32>
        %swap3A_578 = vector.shape_cast %get3A_574 : vector<16xi32> to vector<16xi32>
        tpu.vector_store %arg14[%swap3A_575], %swap3A_578 {strides = array<i32>} : memref<128xi32, #tpu.memory_space<vmem>>, vector<16xi32>,
        %get3A_579 = arith.constant 112 : index
        %get3A_580 = tpu.vector_load %arg8[%get3A_579] {strides = array<i32>} : memref<128xi32, #tpu.memory_space<vmem>>, vector<16xi32>,
        %get3A_581 = vector.shape_cast %get3A_580 : vector<16xi32> to vector<16xi32>
        %mul3A_582 = arith.constant 10000 : i32
        %mul3A_583 = vector.broadcast %mul3A_582 : i32 to vector<16xi32>
        %mul3A_584 = arith.muli %get3A_581, %mul3A_583 : vector<16xi32>
        %get3A_585 = arith.constant 112 : index
        %get3A_586 = tpu.vector_load %arg6[%get3A_585] {strides = array<i32>} : memref<128xi32, #tpu.memory_space<vmem>>, vector<16xi32>,
        %get3A_587 = vector.shape_cast %get3A_586 : vector<16xi32> to vector<16xi32>
        %add3A_588 = arith.addi %mul3A_584, %get3A_587 : vector<16xi32>
        %swap3A_589 = arith.constant 112 : index
        %swap3A_590 = tpu.vector_load %arg12[%swap3A_589] {strides = array<i32>} : memref<128xi32, #tpu.memory_space<vmem>>, vector<16xi32>,
        %swap3A_591 = vector.shape_cast %swap3A_590 : vector<16xi32> to vector<16xi32>
        %swap3A_592 = vector.shape_cast %add3A_588 : vector<16xi32> to vector<16xi32>
        tpu.vector_store %arg12[%swap3A_589], %swap3A_592 {strides = array<i32>} : memref<128xi32, #tpu.memory_space<vmem>>, vector<16xi32>,
        %get3A_593 = arith.constant 112 : index
        %get3A_594 = tpu.vector_load %arg10[%get3A_593] {strides = array<i32>} : memref<128xi32, #tpu.memory_space<vmem>>, vector<16xi32>,
        %get3A_595 = vector.shape_cast %get3A_594 : vector<16xi32> to vector<16xi32>
        %swap3A_596 = arith.constant 112 : index
        %swap3A_597 = tpu.vector_load %arg14[%swap3A_596] {strides = array<i32>} : memref<128xi32, #tpu.memory_space<vmem>>, vector<16xi32>,
        %swap3A_598 = vector.shape_cast %swap3A_597 : vector<16xi32> to vector<16xi32>
        %swap3A_599 = vector.shape_cast %get3A_595 : vector<16xi32> to vector<16xi32>
        tpu.vector_store %arg14[%swap3A_596], %swap3A_599 {strides = array<i32>} : memref<128xi32, #tpu.memory_space<vmem>>, vector<16xi32>,
      } else {
      }
      %lt3A_405 = arith.constant 2500 : i32
      %lt3A_406 = arith.cmpi slt, %add3A_376, %lt3A_405 : i32
      %convert_element_type3A_407 = arith.extui %lt3A_406 : i1 to i32
      %cond3A_408 = arith.constant 0 : i32
      %cond3A_409 = arith.cmpi ne, %convert_element_type3A_407, %cond3A_408 : i32
      scf.if %cond3A_409 {
        %dma_wait3A_420 = arith.constant 0 : i32
        %dma_wait3A_421 = arith.constant 0 : i32
        %dma_wait3A_422 = tpu.memref_slice %arg2[%dma_wait3A_420, %dma_wait3A_421] : memref<40000x128xf32, #tpu.memory_space<hbm>> -> memref<40000x128xf32, #tpu.memory_space<hbm>>
        tpu.wait_indirect_dma semaphore(%arg20 : memref<!tpu.dma_semaphore, #tpu.memory_space<semaphore_mem>>) src(%dma_wait3A_422 : memref<40000x128xf32, #tpu.memory_space<hbm>>) dst(%arg17 : memref<128x128xf32, #tpu.memory_space<vmem>>)
        %dma_start3A_423 = arith.constant 0 : i32
        %dma_start3A_424 = arith.constant 0 : i32
        %dma_start3A_425 = tpu.memref_slice %arg18[%dma_start3A_423, %dma_start3A_424] : memref<10000x128xf32, #tpu.memory_space<vmem_shared>> -> memref<10000x128xf32, #tpu.memory_space<vmem_shared>>
        tpu.enqueue_indirect_dma source(%arg17 : memref<128x128xf32, #tpu.memory_space<vmem>>) target(%dma_start3A_425 : memref<10000x128xf32, #tpu.memory_space<vmem_shared>>) offsets(%arg15 : memref<128xi32, #tpu.memory_space<vmem>>) semaphore(%arg21 : memref<!tpu.dma_semaphore, #tpu.memory_space<semaphore_mem>>) {add = true}
      } else {
      }
      %lt3A_410 = arith.constant 2500 : i32
      %lt3A_411 = arith.cmpi slt, %add3A_381, %lt3A_410 : i32
      %convert_element_type3A_412 = arith.extui %lt3A_411 : i1 to i32
      %cond3A_413 = arith.constant 0 : i32
      %cond3A_414 = arith.cmpi ne, %convert_element_type3A_412, %cond3A_413 : i32
      scf.if %cond3A_414 {
        %dma_start3A_420 = arith.constant 0 : i32
        %dma_start3A_421 = arith.constant 0 : i32
        %dma_start3A_422 = tpu.memref_slice %arg2[%dma_start3A_420, %dma_start3A_421] : memref<40000x128xf32, #tpu.memory_space<hbm>> -> memref<40000x128xf32, #tpu.memory_space<hbm>>
        tpu.enqueue_indirect_dma source(%dma_start3A_422 : memref<40000x128xf32, #tpu.memory_space<hbm>>) target(%arg16 : memref<128x128xf32, #tpu.memory_space<vmem>>) offsets(%arg12 : memref<128xi32, #tpu.memory_space<vmem>>) semaphore(%arg20 : memref<!tpu.dma_semaphore, #tpu.memory_space<semaphore_mem>>)
      } else {
      }
      %lt3A_415 = arith.constant 2500 : i32
      %lt3A_416 = arith.cmpi slt, %add3A_386, %lt3A_415 : i32
      %convert_element_type3A_417 = arith.extui %lt3A_416 : i1 to i32
      %cond3A_418 = arith.constant 0 : i32
      %cond3A_419 = arith.cmpi ne, %convert_element_type3A_417, %cond3A_418 : i32
      scf.if %cond3A_419 {
        %mul3A_420 = arith.constant 128 : i32
        %mul3A_421 = arith.muli %add3A_386, %mul3A_420 : i32
        %dma_start3A_422 = tpu.memref_slice %arg3[%mul3A_421] : memref<640000xi32, #tpu.memory_space<hbm>> -> memref<128xi32, #tpu.memory_space<hbm>>
        %dma_start3A_423 = tpu.memref_slice %arg3[%mul3A_421] : memref<640000xi32, #tpu.memory_space<hbm>> -> memref<128xi32, #tpu.memory_space<hbm>>
        tpu.enqueue_dma source(%dma_start3A_423 : memref<128xi32, #tpu.memory_space<hbm>>) target(%arg7 : memref<128xi32, #tpu.memory_space<vmem>>) target_semaphore(%arg19 : memref<!tpu.dma_semaphore, #tpu.memory_space<semaphore_mem>>)
        %dma_start3A_424 = tpu.memref_slice %arg4[%mul3A_421] : memref<320000xi32, #tpu.memory_space<hbm>> -> memref<128xi32, #tpu.memory_space<hbm>>
        %dma_start3A_425 = tpu.memref_slice %arg4[%mul3A_421] : memref<320000xi32, #tpu.memory_space<hbm>> -> memref<128xi32, #tpu.memory_space<hbm>>
        tpu.enqueue_dma source(%dma_start3A_425 : memref<128xi32, #tpu.memory_space<hbm>>) target(%arg9 : memref<128xi32, #tpu.memory_space<vmem>>) target_semaphore(%arg19 : memref<!tpu.dma_semaphore, #tpu.memory_space<semaphore_mem>>)
        %add3A_426 = arith.constant 320000 : i32
        %add3A_427 = arith.addi %add3A_426, %mul3A_421 : i32
        %dma_start3A_428 = tpu.memref_slice %arg3[%add3A_427] : memref<640000xi32, #tpu.memory_space<hbm>> -> memref<128xi32, #tpu.memory_space<hbm>>
        %dma_start3A_429 = tpu.memref_slice %arg3[%add3A_427] : memref<640000xi32, #tpu.memory_space<hbm>> -> memref<128xi32, #tpu.memory_space<hbm>>
        tpu.enqueue_dma source(%dma_start3A_429 : memref<128xi32, #tpu.memory_space<hbm>>) target(%arg11 : memref<128xi32, #tpu.memory_space<vmem>>) target_semaphore(%arg19 : memref<!tpu.dma_semaphore, #tpu.memory_space<semaphore_mem>>)
      } else {
      }
    }
    %scan3A_266 = arith.constant 40 : i32
    %barrier3A_267 = arith.constant 0 : index
    tpu.barrier barrier_id(%barrier3A_267)
    %add3A_268 = arith.constant 0 : i32
    %add3A_269 = arith.addi %add3A_268, %arg1 : i32
    %lt3A_270 = arith.constant 125 : i32
    %lt3A_271 = arith.cmpi slt, %add3A_269, %lt3A_270 : i32
    %convert_element_type3A_272 = arith.extui %lt3A_271 : i1 to i32
    %cond3A_273 = arith.constant 0 : i32
    %cond3A_274 = arith.cmpi ne, %convert_element_type3A_272, %cond3A_273 : i32
    scf.if %cond3A_274 {
      %mul3A_324 = arith.constant 80 : i32
      %mul3A_325 = arith.muli %add3A_269, %mul3A_324 : i32
      "tpu.region"() ({
        %run_scoped3A = tpu.sem_alloc : memref<!tpu.dma_semaphore, #tpu.memory_space<semaphore_mem>>
        %dma_start3A_326 = arith.constant 0 : i32
        %dma_start3A_327 = tpu.memref_slice %arg5[%arg0, %mul3A_325, %dma_start3A_326] : memref<2x10000x128xf32, #tpu.memory_space<hbm>> -> memref<1x80x128xf32, #tpu.memory_space<hbm>>
        %dma_start3A_328 = tpu.memref_squeeze %dma_start3A_327 : memref<1x80x128xf32, #tpu.memory_space<hbm>> -> memref<80x128xf32, #tpu.memory_space<hbm>>
        %dma_start3A_329 = arith.constant 0 : i32
        %dma_start3A_330 = tpu.memref_slice %arg18[%mul3A_325, %dma_start3A_329] : memref<10000x128xf32, #tpu.memory_space<vmem_shared>> -> memref<80x128xf32, #tpu.memory_space<vmem_shared>>
        tpu.enqueue_dma source(%dma_start3A_330 : memref<80x128xf32, #tpu.memory_space<vmem_shared>>) target(%dma_start3A_328 : memref<80x128xf32, #tpu.memory_space<hbm>>) target_semaphore(%run_scoped3A : memref<!tpu.dma_semaphore, #tpu.memory_space<semaphore_mem>>)
        %dma_wait3A_331 = arith.constant 0 : i32
        %dma_wait3A_332 = tpu.memref_slice %arg5[%arg0, %mul3A_325, %dma_wait3A_331] : memref<2x10000x128xf32, #tpu.memory_space<hbm>> -> memref<1x80x128xf32, #tpu.memory_space<hbm>>
        %dma_wait3A_333 = tpu.memref_squeeze %dma_wait3A_332 : memref<1x80x128xf32, #tpu.memory_space<hbm>> -> memref<80x128xf32, #tpu.memory_space<hbm>>
        %dma_wait3A_334 = arith.constant 0 : i32
        %dma_wait3A_335 = tpu.memref_slice %arg18[%mul3A_325, %dma_wait3A_334] : memref<10000x128xf32, #tpu.memory_space<vmem_shared>> -> memref<80x128xf32, #tpu.memory_space<vmem_shared>>
        tpu.wait_dma2 semaphore(%run_scoped3A : memref<!tpu.dma_semaphore, #tpu.memory_space<semaphore_mem>>) src(%dma_wait3A_335 : memref<80x128xf32, #tpu.memory_space<vmem_shared>>) dst(%dma_wait3A_333 : memref<80x128xf32, #tpu.memory_space<hbm>>)
        tpu.yield
      }) : () -> ()
    } else {
    }
    %add3A_275 = arith.constant 16 : i32
    %add3A_276 = arith.addi %add3A_275, %arg1 : i32
    %lt3A_277 = arith.constant 125 : i32
    %lt3A_278 = arith.cmpi slt, %add3A_276, %lt3A_277 : i32
    %convert_element_type3A_279 = arith.extui %lt3A_278 : i1 to i32
    %cond3A_280 = arith.constant 0 : i32
    %cond3A_281 = arith.cmpi ne, %convert_element_type3A_279, %cond3A_280 : i32
    scf.if %cond3A_281 {
      %mul3A_324 = arith.constant 80 : i32
      %mul3A_325 = arith.muli %add3A_276, %mul3A_324 : i32
      "tpu.region"() ({
        %run_scoped3A = tpu.sem_alloc : memref<!tpu.dma_semaphore, #tpu.memory_space<semaphore_mem>>
        %dma_start3A_326 = arith.constant 0 : i32
        %dma_start3A_327 = tpu.memref_slice %arg5[%arg0, %mul3A_325, %dma_start3A_326] : memref<2x10000x128xf32, #tpu.memory_space<hbm>> -> memref<1x80x128xf32, #tpu.memory_space<hbm>>
        %dma_start3A_328 = tpu.memref_squeeze %dma_start3A_327 : memref<1x80x128xf32, #tpu.memory_space<hbm>> -> memref<80x128xf32, #tpu.memory_space<hbm>>
        %dma_start3A_329 = arith.constant 0 : i32
        %dma_start3A_330 = tpu.memref_slice %arg18[%mul3A_325, %dma_start3A_329] : memref<10000x128xf32, #tpu.memory_space<vmem_shared>> -> memref<80x128xf32, #tpu.memory_space<vmem_shared>>
        tpu.enqueue_dma source(%dma_start3A_330 : memref<80x128xf32, #tpu.memory_space<vmem_shared>>) target(%dma_start3A_328 : memref<80x128xf32, #tpu.memory_space<hbm>>) target_semaphore(%run_scoped3A : memref<!tpu.dma_semaphore, #tpu.memory_space<semaphore_mem>>)
        %dma_wait3A_331 = arith.constant 0 : i32
        %dma_wait3A_332 = tpu.memref_slice %arg5[%arg0, %mul3A_325, %dma_wait3A_331] : memref<2x10000x128xf32, #tpu.memory_space<hbm>> -> memref<1x80x128xf32, #tpu.memory_space<hbm>>
        %dma_wait3A_333 = tpu.memref_squeeze %dma_wait3A_332 : memref<1x80x128xf32, #tpu.memory_space<hbm>> -> memref<80x128xf32, #tpu.memory_space<hbm>>
        %dma_wait3A_334 = arith.constant 0 : i32
        %dma_wait3A_335 = tpu.memref_slice %arg18[%mul3A_325, %dma_wait3A_334] : memref<10000x128xf32, #tpu.memory_space<vmem_shared>> -> memref<80x128xf32, #tpu.memory_space<vmem_shared>>
        tpu.wait_dma2 semaphore(%run_scoped3A : memref<!tpu.dma_semaphore, #tpu.memory_space<semaphore_mem>>) src(%dma_wait3A_335 : memref<80x128xf32, #tpu.memory_space<vmem_shared>>) dst(%dma_wait3A_333 : memref<80x128xf32, #tpu.memory_space<hbm>>)
        tpu.yield
      }) : () -> ()
    } else {
    }
    %add3A_282 = arith.constant 32 : i32
    %add3A_283 = arith.addi %add3A_282, %arg1 : i32
    %lt3A_284 = arith.constant 125 : i32
    %lt3A_285 = arith.cmpi slt, %add3A_283, %lt3A_284 : i32
    %convert_element_type3A_286 = arith.extui %lt3A_285 : i1 to i32
    %cond3A_287 = arith.constant 0 : i32
    %cond3A_288 = arith.cmpi ne, %convert_element_type3A_286, %cond3A_287 : i32
    scf.if %cond3A_288 {
      %mul3A_324 = arith.constant 80 : i32
      %mul3A_325 = arith.muli %add3A_283, %mul3A_324 : i32
      "tpu.region"() ({
        %run_scoped3A = tpu.sem_alloc : memref<!tpu.dma_semaphore, #tpu.memory_space<semaphore_mem>>
        %dma_start3A_326 = arith.constant 0 : i32
        %dma_start3A_327 = tpu.memref_slice %arg5[%arg0, %mul3A_325, %dma_start3A_326] : memref<2x10000x128xf32, #tpu.memory_space<hbm>> -> memref<1x80x128xf32, #tpu.memory_space<hbm>>
        %dma_start3A_328 = tpu.memref_squeeze %dma_start3A_327 : memref<1x80x128xf32, #tpu.memory_space<hbm>> -> memref<80x128xf32, #tpu.memory_space<hbm>>
        %dma_start3A_329 = arith.constant 0 : i32
        %dma_start3A_330 = tpu.memref_slice %arg18[%mul3A_325, %dma_start3A_329] : memref<10000x128xf32, #tpu.memory_space<vmem_shared>> -> memref<80x128xf32, #tpu.memory_space<vmem_shared>>
        tpu.enqueue_dma source(%dma_start3A_330 : memref<80x128xf32, #tpu.memory_space<vmem_shared>>) target(%dma_start3A_328 : memref<80x128xf32, #tpu.memory_space<hbm>>) target_semaphore(%run_scoped3A : memref<!tpu.dma_semaphore, #tpu.memory_space<semaphore_mem>>)
        %dma_wait3A_331 = arith.constant 0 : i32
        %dma_wait3A_332 = tpu.memref_slice %arg5[%arg0, %mul3A_325, %dma_wait3A_331] : memref<2x10000x128xf32, #tpu.memory_space<hbm>> -> memref<1x80x128xf32, #tpu.memory_space<hbm>>
        %dma_wait3A_333 = tpu.memref_squeeze %dma_wait3A_332 : memref<1x80x128xf32, #tpu.memory_space<hbm>> -> memref<80x128xf32, #tpu.memory_space<hbm>>
        %dma_wait3A_334 = arith.constant 0 : i32
        %dma_wait3A_335 = tpu.memref_slice %arg18[%mul3A_325, %dma_wait3A_334] : memref<10000x128xf32, #tpu.memory_space<vmem_shared>> -> memref<80x128xf32, #tpu.memory_space<vmem_shared>>
        tpu.wait_dma2 semaphore(%run_scoped3A : memref<!tpu.dma_semaphore, #tpu.memory_space<semaphore_mem>>) src(%dma_wait3A_335 : memref<80x128xf32, #tpu.memory_space<vmem_shared>>) dst(%dma_wait3A_333 : memref<80x128xf32, #tpu.memory_space<hbm>>)
        tpu.yield
      }) : () -> ()
    } else {
    }
    %add3A_289 = arith.constant 48 : i32
    %add3A_290 = arith.addi %add3A_289, %arg1 : i32
    %lt3A_291 = arith.constant 125 : i32
    %lt3A_292 = arith.cmpi slt, %add3A_290, %lt3A_291 : i32
    %convert_element_type3A_293 = arith.extui %lt3A_292 : i1 to i32
    %cond3A_294 = arith.constant 0 : i32
    %cond3A_295 = arith.cmpi ne, %convert_element_type3A_293, %cond3A_294 : i32
    scf.if %cond3A_295 {
      %mul3A_324 = arith.constant 80 : i32
      %mul3A_325 = arith.muli %add3A_290, %mul3A_324 : i32
      "tpu.region"() ({
        %run_scoped3A = tpu.sem_alloc : memref<!tpu.dma_semaphore, #tpu.memory_space<semaphore_mem>>
        %dma_start3A_326 = arith.constant 0 : i32
        %dma_start3A_327 = tpu.memref_slice %arg5[%arg0, %mul3A_325, %dma_start3A_326] : memref<2x10000x128xf32, #tpu.memory_space<hbm>> -> memref<1x80x128xf32, #tpu.memory_space<hbm>>
        %dma_start3A_328 = tpu.memref_squeeze %dma_start3A_327 : memref<1x80x128xf32, #tpu.memory_space<hbm>> -> memref<80x128xf32, #tpu.memory_space<hbm>>
        %dma_start3A_329 = arith.constant 0 : i32
        %dma_start3A_330 = tpu.memref_slice %arg18[%mul3A_325, %dma_start3A_329] : memref<10000x128xf32, #tpu.memory_space<vmem_shared>> -> memref<80x128xf32, #tpu.memory_space<vmem_shared>>
        tpu.enqueue_dma source(%dma_start3A_330 : memref<80x128xf32, #tpu.memory_space<vmem_shared>>) target(%dma_start3A_328 : memref<80x128xf32, #tpu.memory_space<hbm>>) target_semaphore(%run_scoped3A : memref<!tpu.dma_semaphore, #tpu.memory_space<semaphore_mem>>)
        %dma_wait3A_331 = arith.constant 0 : i32
        %dma_wait3A_332 = tpu.memref_slice %arg5[%arg0, %mul3A_325, %dma_wait3A_331] : memref<2x10000x128xf32, #tpu.memory_space<hbm>> -> memref<1x80x128xf32, #tpu.memory_space<hbm>>
        %dma_wait3A_333 = tpu.memref_squeeze %dma_wait3A_332 : memref<1x80x128xf32, #tpu.memory_space<hbm>> -> memref<80x128xf32, #tpu.memory_space<hbm>>
        %dma_wait3A_334 = arith.constant 0 : i32
        %dma_wait3A_335 = tpu.memref_slice %arg18[%mul3A_325, %dma_wait3A_334] : memref<10000x128xf32, #tpu.memory_space<vmem_shared>> -> memref<80x128xf32, #tpu.memory_space<vmem_shared>>
        tpu.wait_dma2 semaphore(%run_scoped3A : memref<!tpu.dma_semaphore, #tpu.memory_space<semaphore_mem>>) src(%dma_wait3A_335 : memref<80x128xf32, #tpu.memory_space<vmem_shared>>) dst(%dma_wait3A_333 : memref<80x128xf32, #tpu.memory_space<hbm>>)
        tpu.yield
      }) : () -> ()
    } else {
    }
    %add3A_296 = arith.constant 64 : i32
    %add3A_297 = arith.addi %add3A_296, %arg1 : i32
    %lt3A_298 = arith.constant 125 : i32
    %lt3A_299 = arith.cmpi slt, %add3A_297, %lt3A_298 : i32
    %convert_element_type3A_300 = arith.extui %lt3A_299 : i1 to i32
    %cond3A_301 = arith.constant 0 : i32
    %cond3A_302 = arith.cmpi ne, %convert_element_type3A_300, %cond3A_301 : i32
    scf.if %cond3A_302 {
      %mul3A_324 = arith.constant 80 : i32
      %mul3A_325 = arith.muli %add3A_297, %mul3A_324 : i32
      "tpu.region"() ({
        %run_scoped3A = tpu.sem_alloc : memref<!tpu.dma_semaphore, #tpu.memory_space<semaphore_mem>>
        %dma_start3A_326 = arith.constant 0 : i32
        %dma_start3A_327 = tpu.memref_slice %arg5[%arg0, %mul3A_325, %dma_start3A_326] : memref<2x10000x128xf32, #tpu.memory_space<hbm>> -> memref<1x80x128xf32, #tpu.memory_space<hbm>>
        %dma_start3A_328 = tpu.memref_squeeze %dma_start3A_327 : memref<1x80x128xf32, #tpu.memory_space<hbm>> -> memref<80x128xf32, #tpu.memory_space<hbm>>
        %dma_start3A_329 = arith.constant 0 : i32
        %dma_start3A_330 = tpu.memref_slice %arg18[%mul3A_325, %dma_start3A_329] : memref<10000x128xf32, #tpu.memory_space<vmem_shared>> -> memref<80x128xf32, #tpu.memory_space<vmem_shared>>
        tpu.enqueue_dma source(%dma_start3A_330 : memref<80x128xf32, #tpu.memory_space<vmem_shared>>) target(%dma_start3A_328 : memref<80x128xf32, #tpu.memory_space<hbm>>) target_semaphore(%run_scoped3A : memref<!tpu.dma_semaphore, #tpu.memory_space<semaphore_mem>>)
        %dma_wait3A_331 = arith.constant 0 : i32
        %dma_wait3A_332 = tpu.memref_slice %arg5[%arg0, %mul3A_325, %dma_wait3A_331] : memref<2x10000x128xf32, #tpu.memory_space<hbm>> -> memref<1x80x128xf32, #tpu.memory_space<hbm>>
        %dma_wait3A_333 = tpu.memref_squeeze %dma_wait3A_332 : memref<1x80x128xf32, #tpu.memory_space<hbm>> -> memref<80x128xf32, #tpu.memory_space<hbm>>
        %dma_wait3A_334 = arith.constant 0 : i32
        %dma_wait3A_335 = tpu.memref_slice %arg18[%mul3A_325, %dma_wait3A_334] : memref<10000x128xf32, #tpu.memory_space<vmem_shared>> -> memref<80x128xf32, #tpu.memory_space<vmem_shared>>
        tpu.wait_dma2 semaphore(%run_scoped3A : memref<!tpu.dma_semaphore, #tpu.memory_space<semaphore_mem>>) src(%dma_wait3A_335 : memref<80x128xf32, #tpu.memory_space<vmem_shared>>) dst(%dma_wait3A_333 : memref<80x128xf32, #tpu.memory_space<hbm>>)
        tpu.yield
      }) : () -> ()
    } else {
    }
    %add3A_303 = arith.constant 80 : i32
    %add3A_304 = arith.addi %add3A_303, %arg1 : i32
    %lt3A_305 = arith.constant 125 : i32
    %lt3A_306 = arith.cmpi slt, %add3A_304, %lt3A_305 : i32
    %convert_element_type3A_307 = arith.extui %lt3A_306 : i1 to i32
    %cond3A_308 = arith.constant 0 : i32
    %cond3A_309 = arith.cmpi ne, %convert_element_type3A_307, %cond3A_308 : i32
    scf.if %cond3A_309 {
      %mul3A_324 = arith.constant 80 : i32
      %mul3A_325 = arith.muli %add3A_304, %mul3A_324 : i32
      "tpu.region"() ({
        %run_scoped3A = tpu.sem_alloc : memref<!tpu.dma_semaphore, #tpu.memory_space<semaphore_mem>>
        %dma_start3A_326 = arith.constant 0 : i32
        %dma_start3A_327 = tpu.memref_slice %arg5[%arg0, %mul3A_325, %dma_start3A_326] : memref<2x10000x128xf32, #tpu.memory_space<hbm>> -> memref<1x80x128xf32, #tpu.memory_space<hbm>>
        %dma_start3A_328 = tpu.memref_squeeze %dma_start3A_327 : memref<1x80x128xf32, #tpu.memory_space<hbm>> -> memref<80x128xf32, #tpu.memory_space<hbm>>
        %dma_start3A_329 = arith.constant 0 : i32
        %dma_start3A_330 = tpu.memref_slice %arg18[%mul3A_325, %dma_start3A_329] : memref<10000x128xf32, #tpu.memory_space<vmem_shared>> -> memref<80x128xf32, #tpu.memory_space<vmem_shared>>
        tpu.enqueue_dma source(%dma_start3A_330 : memref<80x128xf32, #tpu.memory_space<vmem_shared>>) target(%dma_start3A_328 : memref<80x128xf32, #tpu.memory_space<hbm>>) target_semaphore(%run_scoped3A : memref<!tpu.dma_semaphore, #tpu.memory_space<semaphore_mem>>)
        %dma_wait3A_331 = arith.constant 0 : i32
        %dma_wait3A_332 = tpu.memref_slice %arg5[%arg0, %mul3A_325, %dma_wait3A_331] : memref<2x10000x128xf32, #tpu.memory_space<hbm>> -> memref<1x80x128xf32, #tpu.memory_space<hbm>>
        %dma_wait3A_333 = tpu.memref_squeeze %dma_wait3A_332 : memref<1x80x128xf32, #tpu.memory_space<hbm>> -> memref<80x128xf32, #tpu.memory_space<hbm>>
        %dma_wait3A_334 = arith.constant 0 : i32
        %dma_wait3A_335 = tpu.memref_slice %arg18[%mul3A_325, %dma_wait3A_334] : memref<10000x128xf32, #tpu.memory_space<vmem_shared>> -> memref<80x128xf32, #tpu.memory_space<vmem_shared>>
        tpu.wait_dma2 semaphore(%run_scoped3A : memref<!tpu.dma_semaphore, #tpu.memory_space<semaphore_mem>>) src(%dma_wait3A_335 : memref<80x128xf32, #tpu.memory_space<vmem_shared>>) dst(%dma_wait3A_333 : memref<80x128xf32, #tpu.memory_space<hbm>>)
        tpu.yield
      }) : () -> ()
    } else {
    }
    %add3A_310 = arith.constant 96 : i32
    %add3A_311 = arith.addi %add3A_310, %arg1 : i32
    %lt3A_312 = arith.constant 125 : i32
    %lt3A_313 = arith.cmpi slt, %add3A_311, %lt3A_312 : i32
    %convert_element_type3A_314 = arith.extui %lt3A_313 : i1 to i32
    %cond3A_315 = arith.constant 0 : i32
    %cond3A_316 = arith.cmpi ne, %convert_element_type3A_314, %cond3A_315 : i32
    scf.if %cond3A_316 {
      %mul3A_324 = arith.constant 80 : i32
      %mul3A_325 = arith.muli %add3A_311, %mul3A_324 : i32
      "tpu.region"() ({
        %run_scoped3A = tpu.sem_alloc : memref<!tpu.dma_semaphore, #tpu.memory_space<semaphore_mem>>
        %dma_start3A_326 = arith.constant 0 : i32
        %dma_start3A_327 = tpu.memref_slice %arg5[%arg0, %mul3A_325, %dma_start3A_326] : memref<2x10000x128xf32, #tpu.memory_space<hbm>> -> memref<1x80x128xf32, #tpu.memory_space<hbm>>
        %dma_start3A_328 = tpu.memref_squeeze %dma_start3A_327 : memref<1x80x128xf32, #tpu.memory_space<hbm>> -> memref<80x128xf32, #tpu.memory_space<hbm>>
        %dma_start3A_329 = arith.constant 0 : i32
        %dma_start3A_330 = tpu.memref_slice %arg18[%mul3A_325, %dma_start3A_329] : memref<10000x128xf32, #tpu.memory_space<vmem_shared>> -> memref<80x128xf32, #tpu.memory_space<vmem_shared>>
        tpu.enqueue_dma source(%dma_start3A_330 : memref<80x128xf32, #tpu.memory_space<vmem_shared>>) target(%dma_start3A_328 : memref<80x128xf32, #tpu.memory_space<hbm>>) target_semaphore(%run_scoped3A : memref<!tpu.dma_semaphore, #tpu.memory_space<semaphore_mem>>)
        %dma_wait3A_331 = arith.constant 0 : i32
        %dma_wait3A_332 = tpu.memref_slice %arg5[%arg0, %mul3A_325, %dma_wait3A_331] : memref<2x10000x128xf32, #tpu.memory_space<hbm>> -> memref<1x80x128xf32, #tpu.memory_space<hbm>>
        %dma_wait3A_333 = tpu.memref_squeeze %dma_wait3A_332 : memref<1x80x128xf32, #tpu.memory_space<hbm>> -> memref<80x128xf32, #tpu.memory_space<hbm>>
        %dma_wait3A_334 = arith.constant 0 : i32
        %dma_wait3A_335 = tpu.memref_slice %arg18[%mul3A_325, %dma_wait3A_334] : memref<10000x128xf32, #tpu.memory_space<vmem_shared>> -> memref<80x128xf32, #tpu.memory_space<vmem_shared>>
        tpu.wait_dma2 semaphore(%run_scoped3A : memref<!tpu.dma_semaphore, #tpu.memory_space<semaphore_mem>>) src(%dma_wait3A_335 : memref<80x128xf32, #tpu.memory_space<vmem_shared>>) dst(%dma_wait3A_333 : memref<80x128xf32, #tpu.memory_space<hbm>>)
        tpu.yield
      }) : () -> ()
    } else {
    }
    %add3A_317 = arith.constant 112 : i32
    %add3A_318 = arith.addi %add3A_317, %arg1 : i32
    %lt3A_319 = arith.constant 125 : i32
    %lt3A_320 = arith.cmpi slt, %add3A_318, %lt3A_319 : i32
    %convert_element_type3A_321 = arith.extui %lt3A_320 : i1 to i32
    %cond3A_322 = arith.constant 0 : i32
    %cond3A_323 = arith.cmpi ne, %convert_element_type3A_321, %cond3A_322 : i32
    scf.if %cond3A_323 {
      %mul3A_324 = arith.constant 80 : i32
      %mul3A_325 = arith.muli %add3A_318, %mul3A_324 : i32
      "tpu.region"() ({
        %run_scoped3A = tpu.sem_alloc : memref<!tpu.dma_semaphore, #tpu.memory_space<semaphore_mem>>
        %dma_start3A_326 = arith.constant 0 : i32
        %dma_start3A_327 = tpu.memref_slice %arg5[%arg0, %mul3A_325, %dma_start3A_326] : memref<2x10000x128xf32, #tpu.memory_space<hbm>> -> memref<1x80x128xf32, #tpu.memory_space<hbm>>
        %dma_start3A_328 = tpu.memref_squeeze %dma_start3A_327 : memref<1x80x128xf32, #tpu.memory_space<hbm>> -> memref<80x128xf32, #tpu.memory_space<hbm>>
        %dma_start3A_329 = arith.constant 0 : i32
        %dma_start3A_330 = tpu.memref_slice %arg18[%mul3A_325, %dma_start3A_329] : memref<10000x128xf32, #tpu.memory_space<vmem_shared>> -> memref<80x128xf32, #tpu.memory_space<vmem_shared>>
        tpu.enqueue_dma source(%dma_start3A_330 : memref<80x128xf32, #tpu.memory_space<vmem_shared>>) target(%dma_start3A_328 : memref<80x128xf32, #tpu.memory_space<hbm>>) target_semaphore(%run_scoped3A : memref<!tpu.dma_semaphore, #tpu.memory_space<semaphore_mem>>)
        %dma_wait3A_331 = arith.constant 0 : i32
        %dma_wait3A_332 = tpu.memref_slice %arg5[%arg0, %mul3A_325, %dma_wait3A_331] : memref<2x10000x128xf32, #tpu.memory_space<hbm>> -> memref<1x80x128xf32, #tpu.memory_space<hbm>>
        %dma_wait3A_333 = tpu.memref_squeeze %dma_wait3A_332 : memref<1x80x128xf32, #tpu.memory_space<hbm>> -> memref<80x128xf32, #tpu.memory_space<hbm>>
        %dma_wait3A_334 = arith.constant 0 : i32
        %dma_wait3A_335 = tpu.memref_slice %arg18[%mul3A_325, %dma_wait3A_334] : memref<10000x128xf32, #tpu.memory_space<vmem_shared>> -> memref<80x128xf32, #tpu.memory_space<vmem_shared>>
        tpu.wait_dma2 semaphore(%run_scoped3A : memref<!tpu.dma_semaphore, #tpu.memory_space<semaphore_mem>>) src(%dma_wait3A_335 : memref<80x128xf32, #tpu.memory_space<vmem_shared>>) dst(%dma_wait3A_333 : memref<80x128xf32, #tpu.memory_space<hbm>>)
        tpu.yield
      }) : () -> ()
    } else {
    }
    return
  }
}

module attributes {stable_mosaic.version = 14 : i64} {
  func.func @body(%arg0: i32, %arg1: memref<1000x128xf32, #tpu.memory_space<vmem>>, %arg2: memref<4x128x128xf32, #tpu.memory_space<vmem>>, %arg3: memref<4x1000x128xf32, #tpu.memory_space<vmem>>) attributes {dimension_semantics = [#tpu.dimension_semantics<arbitrary>], iteration_bounds = array<i64: 10>, scalar_prefetch = 0 : i64, scratch_operands = 0 : i64, tpu.core_type = #tpu.core_type<tc>, window_params = [{transform_indices = @transform_0, window_bounds = array<i64: 1000, 128>}, {pipeline_mode = #tpu.pipeline_mode<synchronous>, transform_indices = @transform_1, window_bounds = array<i64: 4, 128, 128>}, {transform_indices = @transform_2, window_bounds = array<i64: 4, 1000, 128>}]} {
    %get3A = arith.constant 0 : index
    %get3A_0 = arith.constant 0 : index
    %get3A_1 = vector.load %arg1[%get3A, %get3A_0] : memref<1000x128xf32, #tpu.memory_space<vmem>>, vector<1000x128xf32>
    %get3A_2 = arith.constant 0 : index
    %get3A_3 = arith.constant 0 : index
    %get3A_4 = arith.constant 0 : index
    %get3A_5 = vector.load %arg2[%get3A_2, %get3A_3, %get3A_4] : memref<4x128x128xf32, #tpu.memory_space<vmem>>, vector<1x128x128xf32>
    %get3A_6 = vector.shape_cast %get3A_5 : vector<1x128x128xf32> to vector<128x128xf32>
    %dot_general3A = arith.constant dense<0.000000e+00> : vector<1000x128xf32>
    %dot_general3A_7 = tpu.matmul %get3A_1, %get3A_6, %dot_general3A {dimension_numbers = #tpu.dot_dimension_numbers<[1], [0], [0], [1], [0, 0, 1, 1], [], []>, transpose_lhs_hint = false} : vector<1000x128xf32>, vector<128x128xf32>, vector<1000x128xf32> -> vector<1000x128xf32>
    %swap3A = arith.constant 0 : index
    %swap3A_8 = arith.constant 0 : index
    %swap3A_9 = arith.constant 0 : index
    %swap3A_10 = vector.load %arg3[%swap3A, %swap3A_8, %swap3A_9] : memref<4x1000x128xf32, #tpu.memory_space<vmem>>, vector<1x1000x128xf32>
    %swap3A_11 = vector.shape_cast %swap3A_10 : vector<1x1000x128xf32> to vector<1000x128xf32>
    %swap3A_12 = vector.shape_cast %dot_general3A_7 : vector<1000x128xf32> to vector<1x1000x128xf32>
    tpu.vector_store %arg3[%swap3A, %swap3A_8, %swap3A_9], %swap3A_12 {strides = array<i32>} : memref<4x1000x128xf32, #tpu.memory_space<vmem>>, vector<1x1000x128xf32>,
    %get3A_13 = arith.constant 1 : index
    %get3A_14 = arith.constant 0 : index
    %get3A_15 = arith.constant 0 : index
    %get3A_16 = vector.load %arg2[%get3A_13, %get3A_14, %get3A_15] : memref<4x128x128xf32, #tpu.memory_space<vmem>>, vector<1x128x128xf32>
    %get3A_17 = vector.shape_cast %get3A_16 : vector<1x128x128xf32> to vector<128x128xf32>
    %dot_general3A_18 = arith.constant dense<0.000000e+00> : vector<1000x128xf32>
    %dot_general3A_19 = tpu.matmul %get3A_1, %get3A_17, %dot_general3A_18 {dimension_numbers = #tpu.dot_dimension_numbers<[1], [0], [0], [1], [0, 0, 1, 1], [], []>, transpose_lhs_hint = false} : vector<1000x128xf32>, vector<128x128xf32>, vector<1000x128xf32> -> vector<1000x128xf32>
    %swap3A_20 = arith.constant 1 : index
    %swap3A_21 = arith.constant 0 : index
    %swap3A_22 = arith.constant 0 : index
    %swap3A_23 = vector.load %arg3[%swap3A_20, %swap3A_21, %swap3A_22] : memref<4x1000x128xf32, #tpu.memory_space<vmem>>, vector<1x1000x128xf32>
    %swap3A_24 = vector.shape_cast %swap3A_23 : vector<1x1000x128xf32> to vector<1000x128xf32>
    %swap3A_25 = vector.shape_cast %dot_general3A_19 : vector<1000x128xf32> to vector<1x1000x128xf32>
    tpu.vector_store %arg3[%swap3A_20, %swap3A_21, %swap3A_22], %swap3A_25 {strides = array<i32>} : memref<4x1000x128xf32, #tpu.memory_space<vmem>>, vector<1x1000x128xf32>,
    %get3A_26 = arith.constant 2 : index
    %get3A_27 = arith.constant 0 : index
    %get3A_28 = arith.constant 0 : index
    %get3A_29 = vector.load %arg2[%get3A_26, %get3A_27, %get3A_28] : memref<4x128x128xf32, #tpu.memory_space<vmem>>, vector<1x128x128xf32>
    %get3A_30 = vector.shape_cast %get3A_29 : vector<1x128x128xf32> to vector<128x128xf32>
    %dot_general3A_31 = arith.constant dense<0.000000e+00> : vector<1000x128xf32>
    %dot_general3A_32 = tpu.matmul %get3A_1, %get3A_30, %dot_general3A_31 {dimension_numbers = #tpu.dot_dimension_numbers<[1], [0], [0], [1], [0, 0, 1, 1], [], []>, transpose_lhs_hint = false} : vector<1000x128xf32>, vector<128x128xf32>, vector<1000x128xf32> -> vector<1000x128xf32>
    %swap3A_33 = arith.constant 2 : index
    %swap3A_34 = arith.constant 0 : index
    %swap3A_35 = arith.constant 0 : index
    %swap3A_36 = vector.load %arg3[%swap3A_33, %swap3A_34, %swap3A_35] : memref<4x1000x128xf32, #tpu.memory_space<vmem>>, vector<1x1000x128xf32>
    %swap3A_37 = vector.shape_cast %swap3A_36 : vector<1x1000x128xf32> to vector<1000x128xf32>
    %swap3A_38 = vector.shape_cast %dot_general3A_32 : vector<1000x128xf32> to vector<1x1000x128xf32>
    tpu.vector_store %arg3[%swap3A_33, %swap3A_34, %swap3A_35], %swap3A_38 {strides = array<i32>} : memref<4x1000x128xf32, #tpu.memory_space<vmem>>, vector<1x1000x128xf32>,
    %get3A_39 = arith.constant 3 : index
    %get3A_40 = arith.constant 0 : index
    %get3A_41 = arith.constant 0 : index
    %get3A_42 = vector.load %arg2[%get3A_39, %get3A_40, %get3A_41] : memref<4x128x128xf32, #tpu.memory_space<vmem>>, vector<1x128x128xf32>
    %get3A_43 = vector.shape_cast %get3A_42 : vector<1x128x128xf32> to vector<128x128xf32>
    %dot_general3A_44 = arith.constant dense<0.000000e+00> : vector<1000x128xf32>
    %dot_general3A_45 = tpu.matmul %get3A_1, %get3A_43, %dot_general3A_44 {dimension_numbers = #tpu.dot_dimension_numbers<[1], [0], [0], [1], [0, 0, 1, 1], [], []>, transpose_lhs_hint = false} : vector<1000x128xf32>, vector<128x128xf32>, vector<1000x128xf32> -> vector<1000x128xf32>
    %swap3A_46 = arith.constant 3 : index
    %swap3A_47 = arith.constant 0 : index
    %swap3A_48 = arith.constant 0 : index
    %swap3A_49 = vector.load %arg3[%swap3A_46, %swap3A_47, %swap3A_48] : memref<4x1000x128xf32, #tpu.memory_space<vmem>>, vector<1x1000x128xf32>
    %swap3A_50 = vector.shape_cast %swap3A_49 : vector<1x1000x128xf32> to vector<1000x128xf32>
    %swap3A_51 = vector.shape_cast %dot_general3A_45 : vector<1000x128xf32> to vector<1x1000x128xf32>
    tpu.vector_store %arg3[%swap3A_46, %swap3A_47, %swap3A_48], %swap3A_51 {strides = array<i32>} : memref<4x1000x128xf32, #tpu.memory_space<vmem>>, vector<1x1000x128xf32>,
    return
  }
  func.func @transform_0(%arg0: i32) -> (i32, i32) {
    %c0_i32 = arith.constant 0 : i32
    %c0_i32_0 = arith.constant 0 : i32
    return %arg0, %c0_i32 : i32, i32
  }
  func.func @transform_1(%arg0: i32) -> (i32, i32, i32) {
    %c0_i32 = arith.constant 0 : i32
    %c0_i32_0 = arith.constant 0 : i32
    %c0_i32_1 = arith.constant 0 : i32
    %c0_i32_2 = arith.constant 0 : i32
    return %c0_i32, %c0_i32_0, %c0_i32_1 : i32, i32, i32
  }
  func.func @transform_2(%arg0: i32) -> (i32, i32, i32) {
    %c0_i32 = arith.constant 0 : i32
    %c0_i32_0 = arith.constant 0 : i32
    %c0_i32_1 = arith.constant 0 : i32
    return %c0_i32, %arg0, %c0_i32_0 : i32, i32, i32
  }
}

module attributes {stable_mosaic.version = 14 : i64} {
  func.func @body(%arg0: i32, %arg1: memref<1000x128xf32, #tpu.memory_space<vmem>>, %arg2: memref<2x1000x128xf32, #tpu.memory_space<vmem>>, %arg3: memref<128x128xf32, #tpu.memory_space<vmem>>, %arg4: memref<1x128xf32, #tpu.memory_space<vmem>>, %arg5: memref<128x256xf32, #tpu.memory_space<vmem>>, %arg6: memref<128x256xf32, #tpu.memory_space<vmem>>, %arg7: memref<1x256xf32, #tpu.memory_space<vmem>>, %arg8: memref<128x128xf32, #tpu.memory_space<vmem>>, %arg9: memref<256x128xf32, #tpu.memory_space<vmem>>, %arg10: memref<1x128xf32, #tpu.memory_space<vmem>>, %arg11: memref<1000x128xf32, #tpu.memory_space<vmem>>) attributes {dimension_semantics = [#tpu.dimension_semantics<arbitrary>], iteration_bounds = array<i64: 10>, scalar_prefetch = 0 : i64, scratch_operands = 0 : i64, tpu.core_type = #tpu.core_type<tc>, window_params = [{transform_indices = @transform_0, window_bounds = array<i64: 1000, 128>}, {transform_indices = @transform_1, window_bounds = array<i64: 2, 1000, 128>}, {pipeline_mode = #tpu.pipeline_mode<synchronous>, transform_indices = @transform_2, window_bounds = array<i64: 128, 128>}, {pipeline_mode = #tpu.pipeline_mode<synchronous>, transform_indices = @transform_3, window_bounds = array<i64: 1, 128>}, {pipeline_mode = #tpu.pipeline_mode<synchronous>, transform_indices = @transform_4, window_bounds = array<i64: 128, 256>}, {pipeline_mode = #tpu.pipeline_mode<synchronous>, transform_indices = @transform_5, window_bounds = array<i64: 128, 256>}, {pipeline_mode = #tpu.pipeline_mode<synchronous>, transform_indices = @transform_6, window_bounds = array<i64: 1, 256>}, {pipeline_mode = #tpu.pipeline_mode<synchronous>, transform_indices = @transform_7, window_bounds = array<i64: 128, 128>}, {pipeline_mode = #tpu.pipeline_mode<synchronous>, transform_indices = @transform_8, window_bounds = array<i64: 256, 128>}, {pipeline_mode = #tpu.pipeline_mode<synchronous>, transform_indices = @transform_9, window_bounds = array<i64: 1, 128>}, {transform_indices = @transform_10, window_bounds = array<i64: 1000, 128>}]} {
    %get3A = arith.constant 0 : index
    %get3A_0 = arith.constant 0 : index
    %get3A_1 = vector.load %arg1[%get3A, %get3A_0] : memref<1000x128xf32, #tpu.memory_space<vmem>>, vector<1000x128xf32>
    %get3A_2 = arith.constant 0 : index
    %get3A_3 = arith.constant 0 : index
    %get3A_4 = arith.constant 0 : index
    %get3A_5 = vector.load %arg2[%get3A_2, %get3A_3, %get3A_4] : memref<2x1000x128xf32, #tpu.memory_space<vmem>>, vector<1x1000x128xf32>
    %get3A_6 = vector.shape_cast %get3A_5 : vector<1x1000x128xf32> to vector<1000x128xf32>
    %get3A_7 = arith.constant 1 : index
    %get3A_8 = arith.constant 0 : index
    %get3A_9 = arith.constant 0 : index
    %get3A_10 = vector.load %arg2[%get3A_7, %get3A_8, %get3A_9] : memref<2x1000x128xf32, #tpu.memory_space<vmem>>, vector<1x1000x128xf32>
    %get3A_11 = vector.shape_cast %get3A_10 : vector<1x1000x128xf32> to vector<1000x128xf32>
    %add3A = arith.addf %get3A_6, %get3A_11 : vector<1000x128xf32>
    %get3A_12 = arith.constant 0 : index
    %get3A_13 = arith.constant 0 : index
    %get3A_14 = vector.load %arg3[%get3A_12, %get3A_13] : memref<128x128xf32, #tpu.memory_space<vmem>>, vector<128x128xf32>
    %dot_general3A = arith.constant dense<0.000000e+00> : vector<1000x128xf32>
    %dot_general3A_15 = tpu.matmul %get3A_1, %get3A_14, %dot_general3A {dimension_numbers = #tpu.dot_dimension_numbers<[1], [0], [0], [1], [0, 0, 1, 1], [], []>, transpose_lhs_hint = false} : vector<1000x128xf32>, vector<128x128xf32>, vector<1000x128xf32> -> vector<1000x128xf32>
    %add3A_16 = arith.addf %add3A, %dot_general3A_15 : vector<1000x128xf32>
    %get3A_17 = arith.constant 0 : index
    %get3A_18 = arith.constant 0 : index
    %get3A_19 = vector.load %arg4[%get3A_17, %get3A_18] : memref<1x128xf32, #tpu.memory_space<vmem>>, vector<1x128xf32>
    %add3A_20 = vector.broadcast %get3A_19 : vector<1x128xf32> to vector<1000x128xf32>
    %add3A_21 = arith.addf %add3A_16, %add3A_20 : vector<1000x128xf32>
    %get3A_22 = arith.constant 0 : index
    %get3A_23 = arith.constant 0 : index
    %get3A_24 = vector.load %arg5[%get3A_22, %get3A_23] : memref<128x256xf32, #tpu.memory_space<vmem>>, vector<128x256xf32>
    %dot_general3A_25 = arith.constant dense<0.000000e+00> : vector<1000x256xf32>
    %dot_general3A_26 = tpu.matmul %get3A_1, %get3A_24, %dot_general3A_25 {dimension_numbers = #tpu.dot_dimension_numbers<[1], [0], [0], [1], [0, 0, 1, 1], [], []>, transpose_lhs_hint = false} : vector<1000x128xf32>, vector<128x256xf32>, vector<1000x256xf32> -> vector<1000x256xf32>
    %get3A_27 = arith.constant 0 : index
    %get3A_28 = arith.constant 0 : index
    %get3A_29 = vector.load %arg6[%get3A_27, %get3A_28] : memref<128x256xf32, #tpu.memory_space<vmem>>, vector<128x256xf32>
    %dot_general3A_30 = arith.constant dense<0.000000e+00> : vector<1000x256xf32>
    %dot_general3A_31 = tpu.matmul %add3A_21, %get3A_29, %dot_general3A_30 {dimension_numbers = #tpu.dot_dimension_numbers<[1], [0], [0], [1], [0, 0, 1, 1], [], []>, transpose_lhs_hint = false} : vector<1000x128xf32>, vector<128x256xf32>, vector<1000x256xf32> -> vector<1000x256xf32>
    %add3A_32 = arith.addf %dot_general3A_26, %dot_general3A_31 : vector<1000x256xf32>
    %get3A_33 = arith.constant 0 : index
    %get3A_34 = arith.constant 0 : index
    %get3A_35 = vector.load %arg7[%get3A_33, %get3A_34] : memref<1x256xf32, #tpu.memory_space<vmem>>, vector<1x256xf32>
    %add3A_36 = vector.broadcast %get3A_35 : vector<1x256xf32> to vector<1000x256xf32>
    %add3A_37 = arith.addf %add3A_32, %add3A_36 : vector<1000x256xf32>
    %tanh3A = math.tanh %add3A_37 : vector<1000x256xf32>
    %get3A_38 = arith.constant 0 : index
    %get3A_39 = arith.constant 0 : index
    %get3A_40 = vector.load %arg8[%get3A_38, %get3A_39] : memref<128x128xf32, #tpu.memory_space<vmem>>, vector<128x128xf32>
    %dot_general3A_41 = arith.constant dense<0.000000e+00> : vector<1000x128xf32>
    %dot_general3A_42 = tpu.matmul %get3A_1, %get3A_40, %dot_general3A_41 {dimension_numbers = #tpu.dot_dimension_numbers<[1], [0], [0], [1], [0, 0, 1, 1], [], []>, transpose_lhs_hint = false} : vector<1000x128xf32>, vector<128x128xf32>, vector<1000x128xf32> -> vector<1000x128xf32>
    %get3A_43 = arith.constant 0 : index
    %get3A_44 = arith.constant 0 : index
    %get3A_45 = vector.load %arg9[%get3A_43, %get3A_44] : memref<256x128xf32, #tpu.memory_space<vmem>>, vector<256x128xf32>
    %dot_general3A_46 = arith.constant dense<0.000000e+00> : vector<1000x128xf32>
    %dot_general3A_47 = tpu.matmul %tanh3A, %get3A_45, %dot_general3A_46 {dimension_numbers = #tpu.dot_dimension_numbers<[1], [0], [0], [1], [0, 0, 1, 1], [], []>, transpose_lhs_hint = false} : vector<1000x256xf32>, vector<256x128xf32>, vector<1000x128xf32> -> vector<1000x128xf32>
    %add3A_48 = arith.addf %dot_general3A_42, %dot_general3A_47 : vector<1000x128xf32>
    %get3A_49 = arith.constant 0 : index
    %get3A_50 = arith.constant 0 : index
    %get3A_51 = vector.load %arg10[%get3A_49, %get3A_50] : memref<1x128xf32, #tpu.memory_space<vmem>>, vector<1x128xf32>
    %add3A_52 = vector.broadcast %get3A_51 : vector<1x128xf32> to vector<1000x128xf32>
    %add3A_53 = arith.addf %add3A_48, %add3A_52 : vector<1000x128xf32>
    %swap3A = arith.constant 0 : index
    %swap3A_54 = arith.constant 0 : index
    %swap3A_55 = vector.load %arg11[%swap3A, %swap3A_54] : memref<1000x128xf32, #tpu.memory_space<vmem>>, vector<1000x128xf32>
    tpu.vector_store %arg11[%swap3A, %swap3A_54], %add3A_53 {strides = array<i32>} : memref<1000x128xf32, #tpu.memory_space<vmem>>, vector<1000x128xf32>,
    return
  }
  func.func @transform_0(%arg0: i32) -> (i32, i32) {
    %c0_i32 = arith.constant 0 : i32
    %c0_i32_0 = arith.constant 0 : i32
    return %arg0, %c0_i32 : i32, i32
  }
  func.func @transform_1(%arg0: i32) -> (i32, i32, i32) {
    %c0_i32 = arith.constant 0 : i32
    %c0_i32_0 = arith.constant 0 : i32
    %c0_i32_1 = arith.constant 0 : i32
    return %c0_i32, %arg0, %c0_i32_0 : i32, i32, i32
  }
  func.func @transform_2(%arg0: i32) -> (i32, i32) {
    %c0_i32 = arith.constant 0 : i32
    %c0_i32_0 = arith.constant 0 : i32
    %c0_i32_1 = arith.constant 0 : i32
    return %c0_i32, %c0_i32_0 : i32, i32
  }
  func.func @transform_3(%arg0: i32) -> (i32, i32) {
    %c0_i32 = arith.constant 0 : i32
    %c0_i32_0 = arith.constant 0 : i32
    %c0_i32_1 = arith.constant 0 : i32
    return %c0_i32, %c0_i32_0 : i32, i32
  }
  func.func @transform_4(%arg0: i32) -> (i32, i32) {
    %c0_i32 = arith.constant 0 : i32
    %c0_i32_0 = arith.constant 0 : i32
    %c0_i32_1 = arith.constant 0 : i32
    return %c0_i32, %c0_i32_0 : i32, i32
  }
  func.func @transform_5(%arg0: i32) -> (i32, i32) {
    %c0_i32 = arith.constant 0 : i32
    %c0_i32_0 = arith.constant 0 : i32
    %c0_i32_1 = arith.constant 0 : i32
    return %c0_i32, %c0_i32_0 : i32, i32
  }
  func.func @transform_6(%arg0: i32) -> (i32, i32) {
    %c0_i32 = arith.constant 0 : i32
    %c0_i32_0 = arith.constant 0 : i32
    %c0_i32_1 = arith.constant 0 : i32
    return %c0_i32, %c0_i32_0 : i32, i32
  }
  func.func @transform_7(%arg0: i32) -> (i32, i32) {
    %c0_i32 = arith.constant 0 : i32
    %c0_i32_0 = arith.constant 0 : i32
    %c0_i32_1 = arith.constant 0 : i32
    return %c0_i32, %c0_i32_0 : i32, i32
  }
  func.func @transform_8(%arg0: i32) -> (i32, i32) {
    %c0_i32 = arith.constant 0 : i32
    %c0_i32_0 = arith.constant 0 : i32
    %c0_i32_1 = arith.constant 0 : i32
    return %c0_i32, %c0_i32_0 : i32, i32
  }
  func.func @transform_9(%arg0: i32) -> (i32, i32) {
    %c0_i32 = arith.constant 0 : i32
    %c0_i32_0 = arith.constant 0 : i32
    %c0_i32_1 = arith.constant 0 : i32
    return %c0_i32, %c0_i32_0 : i32, i32
  }
  func.func @transform_10(%arg0: i32) -> (i32, i32) {
    %c0_i32 = arith.constant 0 : i32
    %c0_i32_0 = arith.constant 0 : i32
    return %arg0, %c0_i32 : i32, i32
  }
}

</mosaic_0001>

<sc_bundles>
// kernel: kernel.5.cloned.1.call-start
scs
__scs_entry_jumppad:
0x0: {  	(pc) =	sbr.rel $0x88, $3  }
0x1: {  	(tag) =	ssettag $0x0;
	lr =	simm.s32 $0x1  }
0x2: {  	[smem:$0x3F97] =	sst lr;
	_ =	strace $0xD0000000  }
0x3: {  	_ = 	snop  }
0x4: {  	_ = 	snop  }
0x5: {  	_ = 	snop  }
0x6: {  	_ = 	snop  }
0x7: {  	_ = 	snop  }
__scs_overlays_trampoline_lowered:
0x8: {  	[smem:$0x3FA6] =	sst s0  }
0x9: {  	[smem:$0x3FA7] =	sst s1  }
0xa: {  	[smem:$0x3FA8] =	sst s2  }
0xb: {  	[smem:$0x3FA9] =	sst s3  }
0xc: {  	[smem:$0x3FAA] =	sst s4  }
0xd: {  	[smem:$0x3FAB] =	sst s5  }
0xe: {  	[smem:$0x3FAC] =	sst s6  }
0xf: {  	[smem:$0x3FAD] =	sst s7  }
0x10: {  	[smem:$0x3FAE] =	sst s8  }
0x11: {  	[smem:$0x3FAF] =	sst s9;
	s0 =	simm.s32 @!p0 $0x0  }
0x12: {  	s1 =	sld [smem:$0x3F95];
	s0 =	simm.s32 @p0 $0x1  }
0x13: {  	[smem:$0x3FB0] =	sst s0;
	s0 =	simm.s32 @!p1 $0x0  }
0x14: {  	s2 =	sld [smem:$0x3F94];
	s0 =	simm.s32 @p1 $0x1  }
0x15: {  	[smem:$0x3FB1] =	sst s0;
	s0 =	simm.s32 @!p2 $0x0  }
0x16: {  	s3 =	sld [smem:$0x3FDB];
	s0 =	simm.s32 @p2 $0x1  }
0x17: {  	s4 =	simm.s32 $0x1BF5;
	[smem:$0x3FB3] =	sst s0  }
0x18: {  	s0 =	sld [smem:$0x3F96];
	_ =	swait.ge [sflag:s4], $0x0  }
0x19: {  	s7 =	sld [smem:$0x3F97]  }
0x1a: {  	s8 =	sadd.s32 $0xFFFFE003, lr  }
0x1b: {  	s9 =	sadd.s32 $0xFFFFFEF7, lr;
	s5 =	simm.s32 $0xFFFFFFFF;
	p2 =	slt.u32 s8, $0xFFFFF086  }
0x1c: {  	p1 =	slt.u32 s9, $0xF7A;
	s5 =	simm.s32 @!p2 $0x0  }
0x1d: {  	s5 =	simm.s32 @p1 $0x1;
	p0 =	seq.s32 s7, s2  }
0x1e: {  	s7 =	smul.u32 @!p0 $0xF7A, s2;
	p2 =	seq.s32 @!p0 s5, $0x0  }
0x1f: {  	s9 =	smul.u32 $0xF7A, s1;
	s8 =	simm.s32 @!p0 $0x1BF5;
	p2 =	por !p2, p0  }
0x20: {  	[sflag:s8] =	ssyncset.s32 @!p0 $0xFFFFF086;
	s6 =	sadd.s32 @!p0 s3, s7;
	s7 =	simm.s32 @!p0 $0x108  }
0x21: {  	s3 =	sadd.s32 s3, s9;
	s6 =	sadd.s32 @!p0 $0x88, s6;
	s7 =	simm.s32 @p2 $0x1082  }
0x22: {  	[simem:s7], [sflag:s8] =	dma.local @!p0 [hbm:s6], $0xF7A  }
0x23: {  	s9 =	sor.u32 $0xD0000000, s2;
	s6 =	simm.s32 $0x108;
	_ =	swait.ge @!p0 [sflag:s8], $0x0  }
0x24: {  	s3 =	sadd.s32 $0x88, s3;
	s6 =	simm.s32 @!p1 $0x1082;
	[sflag:s4] =	ssyncset.s32 $0xFFFFF086  }
0x25: {  	[simem:s6], [sflag:s4] =	dma.local [hbm:s3], $0xF7A  }
0x26: {  	[smem:$0x3F97] =	sst s1;
	(tag) =	ssettag s2;
	_ =	strace s9  }
0x27: {  	s1 =	sld [smem:$0x3FA7]  }
0x28: {  	s2 =	sld [smem:$0x3FA8]  }
0x29: {  	s4 =	sld [smem:$0x3FAA]  }
0x2a: {  	p0 =	seq.s32 s5, $0x0;
	s5 =	sld [smem:$0x3FAB]  }
0x2b: {  	s6 =	sld [smem:$0x3FAC]  }
0x2c: {  	s7 =	sld [smem:$0x3FAD]  }
0x2d: {  	s3 =	simm.s32 $0x108;
	s8 =	sld [smem:$0x3FAE]  }
0x2e: {  	s3 =	simm.s32 @!p0 $0x1082;
	s9 =	sld [smem:$0x3FAF]  }
0x2f: {  	lr =	sadd.s32 s0, s3;
	s0 =	sld [smem:$0x3FA6]  }
0x30: {  	s3 =	sld [smem:$0x3FA9]  }
0x31: {  	[smem:$0x3FB2] =	sst s10  }
0x32: {  	s10 =	sld [smem:$0x3FB0];
	_ =	sdelay $0x3  }
0x33: {  	p0 =	seq.s32 s10, $0x1;
	s10 =	sld [smem:$0x3FB2];
	_ =	sdelay $0x3  }
0x34: {  	[smem:$0x3FB2] =	sst s10  }
0x35: {  	s10 =	sld [smem:$0x3FB1];
	_ =	sdelay $0x3  }
0x36: {  	p1 =	seq.s32 s10, $0x1;
	s10 =	sld [smem:$0x3FB2];
	_ =	sdelay $0x3  }
0x37: {  	[smem:$0x3FB2] =	sst s10  }
0x38: {  	s10 =	sld [smem:$0x3FB3]  }
0x39: {  	_ = 	snop;
	(pc) =	sbr.ind lr, $3  }
0x3a: {  	_ = 	snop  }
0x3b: {  	_ = 	snop  }
0x3c: {  	p2 =	seq.s32 s10, $0x1;
	s10 =	sld [smem:$0x3FB2]  }
0x3d: {  	_ =	shalt  }
0x3e: {  	_ =	shalt  }
0x3f: {  	_ =	shalt  }
0x40: {  	_ =	shalt  }
0x41: {  	_ =	shalt  }
0x42: {  	_ =	shalt  }
0x43: {  	_ =	shalt  }
0x44: {  	_ =	shalt  }
0x45: {  	_ =	shalt  }
0x46: {  	_ =	shalt  }
0x47: {  	_ =	shalt  }
0x48: {  	_ =	shalt  }
0x49: {  	_ =	shalt  }
0x4a: {  	_ =	shalt  }
0x4b: {  	_ =	shalt  }
0x4c: {  	_ =	shalt  }
0x4d: {  	_ =	shalt  }
0x4e: {  	_ =	shalt  }
0x4f: {  	_ =	shalt  }
0x50: {  	_ =	shalt  }
0x51: {  	_ =	shalt  }
0x52: {  	_ =	shalt  }
0x53: {  	_ =	shalt  }
0x54: {  	_ =	shalt  }
0x55: {  	_ =	shalt  }
0x56: {  	_ =	shalt  }
0x57: {  	_ =	shalt  }
0x58: {  	_ =	shalt  }
0x59: {  	_ =	shalt  }
0x5a: {  	_ =	shalt  }
0x5b: {  	_ =	shalt  }
0x5c: {  	_ =	shalt  }
0x5d: {  	_ =	shalt  }
0x5e: {  	_ =	shalt  }
0x5f: {  	_ =	shalt  }
0x60: {  	_ =	shalt  }
0x61: {  	_ =	shalt  }
0x62: {  	_ =	shalt  }
0x63: {  	_ =	shalt  }
0x64: {  	_ =	shalt  }
0x65: {  	_ =	shalt  }
0x66: {  	_ =	shalt  }
0x67: {  	_ =	shalt  }
0x68: {  	_ =	shalt  }
0x69: {  	_ =	shalt  }
0x6a: {  	_ =	shalt  }
0x6b: {  	_ =	shalt  }
0x6c: {  	_ =	shalt  }
0x6d: {  	_ =	shalt  }
0x6e: {  	_ =	shalt  }
0x6f: {  	_ =	shalt  }
0x70: {  	_ =	shalt  }
0x71: {  	_ =	shalt  }
0x72: {  	_ =	shalt  }
0x73: {  	_ =	shalt  }
0x74: {  	_ =	shalt  }
0x75: {  	_ =	shalt  }
0x76: {  	_ =	shalt  }
0x77: {  	_ =	shalt  }
0x78: {  	_ =	shalt  }
0x79: {  	_ =	shalt  }
0x7a: {  	_ =	shalt  }
0x7b: {  	_ =	shalt  }
0x7c: {  	_ =	shalt  }
0x7d: {  	_ =	shalt  }
0x7e: {  	_ =	shalt  }
0x7f: {  	_ =	shalt  }
0x80: {  	_ =	shalt  }
0x81: {  	_ =	shalt  }
0x82: {  	_ =	shalt  }
0x83: {  	_ =	shalt  }
0x84: {  	_ =	shalt  }
0x85: {  	_ =	shalt  }
0x86: {  	_ =	shalt  }
0x87: {  	_ =	shalt  }
.Lfunc_end0:
.L_simem_size_0:
called_computation_lowered:
.L_overlay_start_0:
0x88: {  	s2 =	sld [smem:$0x3FD9]  }
0x89: {  	s3 =	sld [smem:$0x3FFE];
	_ =	sdelay $0x1  }
0x8a: {  	s1 =	srdreg.scid  }
0x8b: {  	s0 =	sand.u32 $0x1, s1  }
0x8c: {  	s17 =	sshll.u32 s0, $0xA;
	s2 =	sadd.s32 s3, s2  }
0x8d: {  	s2 =	sadd.s32 s2, s17  }
0x8e: {  	[smem:$0x3FBE] =	sst s2  }
0x8f: {  	_ = 	snop  }
0x90: {  	s2 =	sld [smem:$0x3FC7]  }
0x91: {  	s18 =	sld [smem:$0x3FD0];
	(tm) =	ssettm $0x1  }
0x92: {  	s4 =	sld [smem:$0x3FFB];
	_ =	sdelay $0x3  }
0x93: {  	_ =	strace s4  }
0x94: {  	s4 =	sld [smem:$0x3FFC];
	_ =	sdelay $0x3  }
0x95: {  	_ =	strace s4  }
0x96: {  	s4 =	sld [smem:$0x3FFD];
	_ =	sdelay $0x3  }
0x97: {  	_ =	strace s4  }
0x98: {  	_ =	strace $0x8FFFFFFF  }
0x99: {  	s19 =	sld [smem:$0x3FDB];
	_ =	sdelay $0x1  }
0x9a: {  	s5 =	simm.s32 $_scs_section_size  }
0x9b: {  	s6 =	simm.s32 $_size__tile_overlayer_lowered;
	s7 =	simm.s32 $_tile_overlayer_lowered  }
0x9c: {  	s22 =	simm.s32 $0x1BFF;
	s21 =	sshll.u32 s7, $0x1;
	s4 =	sadd.s32 s5, s19  }
0x9d: {  	s8 =	simm.s32 $0x0;
	s20 =	sshll.u32 s6, $0x1;
	s6 =	sadd.s32 s21, s4  }
0x9e: {  	[timem:s8], [sflag:s22] =	dma.local [hbm:s6], s20  }
0x9f: {  	_ =	swait.ge [sflag:s22], s20  }
0xa0: {  	s5 =	ssub.s32 $0x0, s20;
	[sflag:s22] =	ssyncset.done $0x0  }
0xa1: {  	[sflag:s22] =	ssyncadd.s32 s5;
	_ =	sdelay $0x1  }
0xa2: {  	s23 =	simm.s32 $0x1B8B  }
0xa3: {  	_ =	swait.ge [sflag:s23], $0x1  }
0xa4: {  	[sflag:s23] =	ssyncset.done $0x0  }
0xa5: {  	s25 =	simm.s32 $0x1B8E;
	s24 =	sld [smem:$0x3FFE];
	[sflag:s23] =	ssyncadd.s32 $0xFFFFFFFF  }
0xa6: {  	s26 =	simm.s32 $execute0_lowered;
	[smem:$0x3FD2] =	sst s25  }
0xa7: {  	s6 =	sshll.u32 s26, $0x1;
	_ =	strace $0x80000046;
	[dreg:$0x1] =	wrdreg $0xFFFFFFFF  }
0xa8: {  	s28 =	simm.s32 $_size_execute0_lowered;
	s4 =	sadd.s32 s4, s6;
	[dreg:$0x0] =	wrdreg $0x0  }
0xa9: {  	s6 =	sshll.u32 s28, $0x1;
	[dreg:$0x2] =	wrdreg s4  }
0xaa: {  	[dreg:$0x3] =	wrdreg s6  }
0xab: {  	[dreg:$0x4] =	wrdreg $0xC0  }
0xac: {  	_ =	task [dreg:s8], $0x5FFFF  }
0xad: {  	[dreg:$0x1] =	wrdreg $0xFFFFFFFF  }
0xae: {  	[dreg:$0x0] =	wrdreg $0x60  }
0xaf: {  	[dreg:$0x2] =	wrdreg s24  }
0xb0: {  	[dreg:$0x3] =	wrdreg s18  }
0xb1: {  	[dreg:$0x4] =	wrdreg s2  }
0xb2: {  	[dreg:$0x5] =	wrdreg $0x85000  }
0xb3: {  	[dreg:$0x6] =	wrdreg $0x9  }
0xb4: {  	_ =	task.clear_ibuf [dreg:s8], $0x7FFFF;
	_ =	strace $0x90000046  }
0xb5: {  	s29 =	simm.s32 $0x9;
	_ =	strace $0x80000048  }
0xb6: {  	_ =	swait.ge [sflag:s29], $0x1  }
0xb7: {  	[sflag:s29] =	ssyncadd.s32 $0xFFFFFFFF  }
0xb8: {  	_ =	strace $0x90000048  }
0xb9: {  	_ =	sfence  }
0xba: {  	s30 =	sld [smem:$0x0];
	_ =	sdelay $0x2  }
0xbb: {  	s31 =	sshll.u32 s1, $0xD;
	s1 =	sshrl.u32 s1, $0x2  }
0xbc: {  	s3 =	sand.u32 $0x4000, s31;
	s1 =	sadd.s32 s1, s30  }
0xbd: {  	s0 =	sor.u32 s3, s0;
	s1 =	sshll.u32 s1, $0x11  }
0xbe: {  	s0 =	sor.u32 s1, s0  }
0xbf: {  	s0 =	sadd.s32 $0x8F2B, s0  }
0xc0: {  	[sflag:s0] =	ssyncadd.remote.s32 $0x1  }
0xc1: {  	_ =	sfence.sel $0xFFFF  }
0xc2: {  	[dreg:$0x0] =	wrdreg $0xFFFFFFFF;
	(pc) =	sbr.abs _section_cstart, $3  }
0xc3: {  	[dreg:$0x1] =	wrdreg $0xFFFFFFFF  }
0xc4: {  	_ =	task.clear_ibuf [dreg:s8], $0x2FFFF;
	_ =	strace $0x9FFFFFFF  }
0xc5: {  	(tm) =	ssettm $0x7FFFFFFF  }
tec
execute0_lowered:
.L_overlay_start_1:
0x0: {  	(tag) =	ssettag $0x1  }
0x1: {  	s0 =	srdreg.scid;
	s31 =	stileid.u32  }
0x2: {  	s7 =	sand.u32 $0x1, s0;
	s10 =	smul.u32 $0x2800, s31  }
0x3: {  	s4 =	rddreg [dreg:$0x0];
	s9 =	sor.u32 $0x10, s31;
	s2 =	smul.u32 $0x138800, s7  }
0x4: {  	s5 =	rddreg [dreg:$0x1];
	s11 =	sor.u32 $0x20, s31;
	s12 =	smul.u32 $0x2800, s9  }
0x5: {  	s6 =	rddreg [dreg:$0x2];
	s15 =	sor.u32 $0x30, s31;
	s13 =	smul.u32 $0x2800, s11  }
0x6: {  	s8 =	sadd.s32 $0x9E200, s4;
	s20 =	sor.u32 $0x40, s31;
	s14 =	smul.u32 $0x2800, s15  }
0x7: {  	s3 =	sshll.u32 s31, $0x1;
	s21 =	sor.u32 $0x50, s31;
	s16 =	smul.u32 $0x2800, s20  }
0x8: {  	s22 =	sor.u32 $0x60, s31;
	s23 =	sor.u32 $0x70, s31;
	s17 =	smul.u32 $0x2800, s21  }
0x9: {  	p0 =	sgt.u32 s31, $0xC;
	s0 =	ssub.s32 $0x2, s7;
	s19 =	smul.u32 $0x2800, s22  }
0xa: {  	s24 =	smul.u32 $0x2800, s23;
	s29 =	ssub.s32 $0x9A4, s3;
	s1 =	sshrl.u32 s0, $0x1  }
0xb: {  	s30 =	ssub.s32 $0x9C4, s3;
	s0 =	ssub.s32 s0, s1;
	s1 =	sor.u32 s7, s3  }
0xc: {  	s10 =	sadd.s32 s10, s2;
	s12 =	sadd.s32 s2, s12;
	s13 =	sadd.s32 s2, s13  }
0xd: {  	s14 =	sadd.s32 s2, s14;
	s16 =	sadd.s32 s2, s16;
	s17 =	sadd.s32 s2, s17  }
0xe: {  	s19 =	sadd.s32 s2, s19;
	s24 =	sadd.s32 s2, s24;
	s7 =	sshll.u32 s7, $0x4  }
0xf: {  	s3 =	simm.s32 $0x500;
	s18 =	sshll.u32 s1, $0x4;
	s10 =	sshrl.u32 s10, $0x3  }
0x10: {  	s12 =	sshrl.u32 s12, $0x3;
	s13 =	sshrl.u32 s13, $0x3;
	s25 =	sshrl.u32 s14, $0x3  }
0x11: {  	s26 =	sshrl.u32 s16, $0x3;
	s14 =	sshrl.u32 s17, $0x3;
	s16 =	sshrl.u32 s19, $0x3  }
0x12: {  	s17 =	sshrl.u32 s24, $0x3;
	s0 =	smax.u32 s0, $0x1;
	s10 =	sadd.s32 s8, s10  }
0x13: {  	s2 =	sadd.s32 s5, s18;
	s12 =	sadd.s32 s8, s12;
	[dreg:$0x5] =	wrdreg s10  }
0x14: {  	s19 =	sor.u32 $0x200, s18;
	s24 =	sadd.s32 s6, s18;
	[dreg:$0x6] =	wrdreg s12  }
0x15: {  	s10 =	sadd.s32 s8, s13;
	s13 =	sadd.s32 s8, s26;
	[dreg:$0xd] =	wrdreg s24  }
0x16: {  	s26 =	sshll.u32 s31, $0x5;
	s12 =	smul.u32 $0xA000, s11;
	[dreg:$0x7] =	wrdreg s10  }
0x17: {  	s24 =	smul.u32 $0xA000, s15;
	s10 =	sadd.s32 s8, s25;
	[dreg:$0x9] =	wrdreg s13  }
0x18: {  	s11 =	smul.u32 $0xA000, s23;
	s25 =	sadd.s32 s5, s19;
	[dreg:$0x8] =	wrdreg s10  }
0x19: {  	s5 =	sadd.s32 s26, s5;
	s10 =	sadd.s32 s8, s14;
	[dreg:$0xe] =	wrdreg s25  }
0x1a: {  	s13 =	smul.u32 $0xA000, s31;
	s14 =	simm.s32 $0x0;
	[dreg:$0xa] =	wrdreg s10  }
0x1b: {  	s31 =	sadd.s32 $0x9C40, s2;
	s15 =	sshrl.u32 s11, $0x2;
	[smem:$0x7FF] =	sst s14  }
0x1c: {  	s10 =	sadd.s32 s8, s16;
	s8 =	sadd.s32 s8, s17;
	s16 =	rddreg [dreg:$0x3]  }
0x1d: {  	s17 =	sadd.s32 s7, s5;
	s25 =	sshrl.u32 s13, $0x2;
	[dreg:$0xb] =	wrdreg s10  }
0x1e: {  	[dreg:$0xc] =	wrdreg s8;
	s8 =	sadd.s32 s6, s19;
	s10 =	smul.u32 $0xA000, s9  }
0x1f: {  	s6 =	sadd.s32 s26, s6;
	s19 =	sadd.s32 $0x1E00, s4;
	s26 =	smul.u32 $0xA000, s20  }
0x20: {  	s20 =	sadd.s32 s25, s16;
	s9 =	sshrl.u32 s12, $0x2;
	s28 =	sadd.s32 s15, s16  }
0x21: {  	s15 =	smov.u32 s2;
	s4 =	simm.s32 $0x4;
	[dreg:$0xf] =	wrdreg s8  }
0x22: {  	s18 =	sadd.s32 s7, s6;
	s8 =	smul.u32 $0xA000, s21;
	s6 =	sshrl.u32 s24, $0x2  }
0x23: {  	_ =	strace $0x80000047;
	s7 =	sshrl.u32 s10, $0x2;
	s10 =	smul.u32 $0xA000, s22  }
.Ltmp0:
0x24: {  	s5 =	sshrl.u32 s26, $0x2;
	[dreg:$0x10] =	wrdreg s0;
	(pc) =	sbr.rel .LBB2_1-.Ltmp0, $4  }
0x25: {  	s22 =	sadd.s32 s9, s16;
	s23 =	sadd.s32 s6, s16;
	[dreg:$0x11] =	wrdreg s31  }
0x26: {  	s0 =	sadd.s32 $0x9E40, s2;
	s6 =	simm.s32 $0x80;
	s21 =	sadd.s32 s7, s16  }
0x27: {  	s24 =	sadd.s32 s5, s16;
	s12 =	sshrl.u32 s8, $0x2;
	s13 =	sshrl.u32 s10, $0x2  }
0x28: {  	v0 =	vimm.f32 $0.0e+00;
	s5 =	simm.s32 $0x1;
	s25 =	sadd.s32 s12, s16;
	s26 =	sadd.s32 s13, s16  }
.LBB2_9:
0x29: {  	s2 =	stileid.u32  }
0x2a: {  	[bflag:$0x0] =	sbarrier.arrive $0xFFFF;
	s2 =	sshll.u32 s2, $0x6  }
0x2b: {  	s7 =	sshrl.u32 s20, $0x3;
	s8 =	rddreg [dreg:$0x5];
	s2 =	sor.u32 $0x1C04, s2  }
0x2c: {  	[hbm:s8], [sflag:s2] =	dma.local [spmem:s7], $0x500  }
0x2d: {  	_ =	swait.ge [sflag:s4], $0x500  }
0x2e: {  	[sflag:s4] =	ssyncset.done $0x0  }
0x2f: {  	s9 =	sshrl.u32 s21, $0x3;
	s10 =	rddreg [dreg:$0x6];
	[sflag:s4] =	ssyncadd.s32 $0xFFFFFB00  }
0x30: {  	[hbm:s10], [sflag:s2] =	dma.local [spmem:s9], $0x500  }
0x31: {  	_ =	swait.ge [sflag:s4], $0x500  }
0x32: {  	[sflag:s4] =	ssyncset.done $0x0  }
0x33: {  	s11 =	sshrl.u32 s22, $0x3;
	s12 =	rddreg [dreg:$0x7];
	[sflag:s4] =	ssyncadd.s32 $0xFFFFFB00  }
0x34: {  	[hbm:s12], [sflag:s2] =	dma.local [spmem:s11], $0x500  }
0x35: {  	_ =	swait.ge [sflag:s4], $0x500  }
0x36: {  	[sflag:s4] =	ssyncset.done $0x0  }
0x37: {  	s13 =	sshrl.u32 s23, $0x3;
	s31 =	rddreg [dreg:$0x8];
	[sflag:s4] =	ssyncadd.s32 $0xFFFFFB00  }
0x38: {  	[hbm:s31], [sflag:s2] =	dma.local [spmem:s13], $0x500  }
0x39: {  	_ =	swait.ge [sflag:s4], $0x500  }
0x3a: {  	[sflag:s4] =	ssyncset.done $0x0  }
0x3b: {  	s8 =	sshrl.u32 s24, $0x3;
	s9 =	rddreg [dreg:$0x9];
	[sflag:s4] =	ssyncadd.s32 $0xFFFFFB00  }
0x3c: {  	[hbm:s9], [sflag:s2] =	dma.local [spmem:s8], $0x500  }
0x3d: {  	_ =	swait.ge [sflag:s4], $0x500  }
0x3e: {  	[sflag:s4] =	ssyncset.done $0x0  }
0x3f: {  	s10 =	sshrl.u32 s25, $0x3;
	s11 =	rddreg [dreg:$0xa];
	[sflag:s4] =	ssyncadd.s32 $0xFFFFFB00  }
0x40: {  	[hbm:s11], [sflag:s2] =	dma.local [spmem:s10], $0x500  }
0x41: {  	_ =	swait.ge [sflag:s4], $0x500  }
0x42: {  	[sflag:s4] =	ssyncset.done $0x0  }
0x43: {  	s12 =	sshrl.u32 s26, $0x3;
	s13 =	rddreg [dreg:$0xb];
	[sflag:s4] =	ssyncadd.s32 $0xFFFFFB00  }
0x44: {  	[hbm:s13], [sflag:s2] =	dma.local [spmem:s12], $0x500  }
0x45: {  	_ =	swait.ge [sflag:s4], $0x500  }
0x46: {  	[sflag:s4] =	ssyncset.done $0x0  }
0x47: {  	s7 =	sshrl.u32 @!p0 s28, $0x3;
	s8 =	rddreg [dreg:$0xc];
	[sflag:s4] =	ssyncadd.s32 $0xFFFFFB00  }
0x48: {  	[hbm:s8], [sflag:s2] =	dma.local @!p0 [spmem:s7], $0x500  }
0x49: {  	s2 =	simm.s32 @!p0 $0x4  }
0x4a: {  	_ =	swait.ge @!p0 [sflag:s2], $0x500  }
0x4b: {  	s14 =	sadd.s32 $0x1, s14;
	s31 =	rddreg [dreg:$0x10]  }
0x4c: {  	p1 =	sne.s32 s14, s31  }
.Ltmp1:
0x4d: {  	_ = 	snop;
	(pc) =	sbr.rel @!p1 .LBB2_10-.Ltmp1, $3  }
0x4e: {  	_ =	sdelay $0x1  }
0x4f: {  	[sflag:s2] =	ssyncset.done @!p0 $0x0  }
0x50: {  	[sflag:s2] =	ssyncadd.s32 @!p0 $0xFFFFFB00  }
.LBB2_1:
0x51: {  	s7 =	simm.s32 $0x0;
	s8 =	simm.s32 $0x200  }
.LBB2_2:
0x52: {  	p1 =	sne.s32 s8, $0x9E00;
	[tilespmem:s7+$0x570] =	vst v0  }
0x53: {  	[tilespmem:s7+$0x500] =	vst v0  }
0x54: {  	[tilespmem:s7+$0x510] =	vst v0  }
.Ltmp2:
0x55: {  	[tilespmem:s7+$0x520] =	vst v0;
	(pc) =	sbr.rel @p1 .LBB2_2-.Ltmp2, $4  }
0x56: {  	[tilespmem:s7+$0x530] =	vst v0  }
0x57: {  	[tilespmem:s7+$0x540] =	vst v0  }
0x58: {  	[tilespmem:s7+$0x550] =	vst v0  }
0x59: {  	[tilespmem:s7+$0x560] =	vst v0;
	s7 =	sshra.s32 s8, $0x2;
	s8 =	sadd.s32 $0x200, s8  }
0x5a: {  	[tilespmem:s7+$0x570] =	vst v0  }
0x5b: {  	[tilespmem:s7+$0x500] =	vst v0  }
0x5c: {  	[tilespmem:s7+$0x510] =	vst v0  }
0x5d: {  	[tilespmem:s7+$0x520] =	vst v0  }
0x5e: {  	[tilespmem:s7+$0x530] =	vst v0  }
0x5f: {  	[tilespmem:s7+$0x540] =	vst v0  }
0x60: {  	[tilespmem:s7+$0x550] =	vst v0  }
0x61: {  	[tilespmem:s7+$0x560] =	vst v0  }
0x62: {  	[spmem:s20] =	stream.linear.scatter [tilespmem:s3], [sflag:$0x4], $0x2800, $0x38;
	[tilespmem:$0x1BD80] =	vst v63  }
0x63: {  	_ =	swait.ge [sflag:s4], $0x2800  }
0x64: {  	[sflag:s4] =	ssyncset.done $0x0  }
0x65: {  	[sflag:s4] =	ssyncadd.s32 $0xFFFFD800  }
0x66: {  	[spmem:s21] =	stream.linear.scatter [tilespmem:s3], [sflag:$0x4], $0x2800, $0x38;
	[tilespmem:$0x1BD80] =	vst v63  }
0x67: {  	_ =	swait.ge [sflag:s4], $0x2800  }
0x68: {  	[sflag:s4] =	ssyncset.done $0x0  }
0x69: {  	[sflag:s4] =	ssyncadd.s32 $0xFFFFD800  }
0x6a: {  	[spmem:s22] =	stream.linear.scatter [tilespmem:s3], [sflag:$0x4], $0x2800, $0x38;
	[tilespmem:$0x1BD80] =	vst v63  }
0x6b: {  	_ =	swait.ge [sflag:s4], $0x2800  }
0x6c: {  	[sflag:s4] =	ssyncset.done $0x0  }
0x6d: {  	[sflag:s4] =	ssyncadd.s32 $0xFFFFD800  }
0x6e: {  	[spmem:s23] =	stream.linear.scatter [tilespmem:s3], [sflag:$0x4], $0x2800, $0x38;
	[tilespmem:$0x1BD80] =	vst v63  }
0x6f: {  	_ =	swait.ge [sflag:s4], $0x2800  }
0x70: {  	[sflag:s4] =	ssyncset.done $0x0  }
0x71: {  	[sflag:s4] =	ssyncadd.s32 $0xFFFFD800  }
0x72: {  	[spmem:s24] =	stream.linear.scatter [tilespmem:s3], [sflag:$0x4], $0x2800, $0x38;
	[tilespmem:$0x1BD80] =	vst v63  }
0x73: {  	_ =	swait.ge [sflag:s4], $0x2800  }
0x74: {  	[sflag:s4] =	ssyncset.done $0x0  }
0x75: {  	[sflag:s4] =	ssyncadd.s32 $0xFFFFD800  }
0x76: {  	[spmem:s25] =	stream.linear.scatter [tilespmem:s3], [sflag:$0x4], $0x2800, $0x38;
	[tilespmem:$0x1BD80] =	vst v63  }
0x77: {  	_ =	swait.ge [sflag:s4], $0x2800  }
0x78: {  	[sflag:s4] =	ssyncset.done $0x0  }
0x79: {  	[sflag:s4] =	ssyncadd.s32 $0xFFFFD800  }
0x7a: {  	[spmem:s26] =	stream.linear.scatter [tilespmem:s3], [sflag:$0x4], $0x2800, $0x38;
	[tilespmem:$0x1BD80] =	vst v63  }
0x7b: {  	_ =	swait.ge [sflag:s4], $0x2800  }
0x7c: {  	[sflag:s4] =	ssyncset.done $0x0  }
0x7d: {  	s7 =	simm.s32 @!p0 $0x500;
	[sflag:s4] =	ssyncadd.s32 $0xFFFFD800  }
0x7e: {  	[spmem:s28] =	stream.linear.scatter @!p0 [tilespmem:s7], [sflag:$0x4], $0x2800, $0x38;
	[tilespmem:$0x1BD80] =	vst v63  }
0x7f: {  	s7 =	simm.s32 @!p0 $0x4  }
0x80: {  	_ =	swait.ge @!p0 [sflag:s7], $0x2800  }
0x81: {  	[sflag:s7] =	ssyncset.done @!p0 $0x0  }
0x82: {  	[sflag:s7] =	ssyncadd.s32 @!p0 $0xFFFFD800  }
0x83: {  	s7 =	simm.s32 $0x0;
	[bflag:$0x0] =	sbarrier.arrive $0xFFFF  }
0x84: {  	[tilespmem:s7], [sflag:$0x1] =	stream.linear.gather [hbm4b:s15+s7], $0x80, $0x38;
	[tilespmem:$0x1BD80] =	vst v63  }
0x85: {  	s8 =	simm.s32 $0x100;
	s2 =	rddreg [dreg:$0xd]  }
0x86: {  	[tilespmem:s8], [sflag:$0x1] =	stream.linear.gather [hbm4b:s2+s7], $0x80, $0x38;
	[tilespmem:$0x1BD80] =	vst v63  }
0x87: {  	s9 =	simm.s32 $0x200;
	s8 =	rddreg [dreg:$0x11]  }
0x88: {  	[tilespmem:s9], [sflag:$0x1] =	stream.linear.gather [hbm4b:s8+s7], $0x80, $0x38;
	[tilespmem:$0x1BD80] =	vst v63  }
0x89: {  	_ =	swait.ge [sflag:s5], $0x80  }
0x8a: {  	[sflag:s5] =	ssyncset.done $0x0  }
0x8b: {  	[sflag:s5] =	ssyncadd.s32 $0xFFFFFF80  }
0x8c: {  	_ =	swait.ge [sflag:s5], $0x80  }
0x8d: {  	[sflag:s5] =	ssyncset.done $0x0  }
0x8e: {  	[sflag:s5] =	ssyncadd.s32 $0xFFFFFF80  }
0x8f: {  	_ =	swait.ge [sflag:s5], $0x80  }
0x90: {  	[sflag:s5] =	ssyncset.done $0x0  }
0x91: {  	[sflag:s5] =	ssyncadd.s32 $0xFFFFFF80  }
0x92: {  	v1 =	vld [tilespmem:$0x100]  }
0x93: {  	v2 =	vld [tilespmem:$0x0]  }
0x94: {  	v3 =	vld [tilespmem:$0x200]  }
0x95: {  	v4 =	vld [tilespmem:$0x110]  }
0x96: {  	v5 =	vld [tilespmem:$0x10]  }
0x97: {  	v6 =	vld [tilespmem:$0x210]  }
0x98: {  	v7 =	vld [tilespmem:$0x120]  }
0x99: {  	v8 =	vld [tilespmem:$0x20]  }
0x9a: {  	v9 =	vld [tilespmem:$0x220]  }
0x9b: {  	v10 =	vld [tilespmem:$0x130]  }
0x9c: {  	v11 =	vld [tilespmem:$0x30]  }
0x9d: {  	v12 =	vld [tilespmem:$0x230]  }
0x9e: {  	v13 =	vld [tilespmem:$0x140]  }
0x9f: {  	v55 =	vld [tilespmem:$0x40];
	v1 =	vmul.u32 $0x2710, v1  }
0xa0: {  	v56 =	vld [tilespmem:$0x150];
	[tilespmem:$0x400] =	vst v3  }
0xa1: {  	v58 =	vld [tilespmem:$0x250];
	[tilespmem:$0x410] =	vst v6;
	v1 =	vadd.s32 v2, v1;
	v2 =	vmul.u32 $0x2710, v4  }
0xa2: {  	v62 =	vld [tilespmem:$0x260];
	v3 =	vmul.u32 $0x2710, v7;
	[tilespmem:$0x420] =	vst v9  }
0xa3: {  	[tilespmem:$0x300] =	vst v1;
	v1 =	vld [tilespmem:$0x240];
	v2 =	vadd.s32 v5, v2  }
0xa4: {  	v3 =	vadd.s32 v8, v3;
	[tilespmem:$0x310] =	vst v2;
	v2 =	vld [tilespmem:$0x50]  }
0xa5: {  	[tilespmem:$0x320] =	vst v3;
	v3 =	vld [tilespmem:$0x160]  }
0xa6: {  	v61 =	vld [tilespmem:$0x170];
	[tilespmem:$0x430] =	vst v12  }
0xa7: {  	v60 =	vld [tilespmem:$0x60];
	[tilespmem:$0x450] =	vst v58;
	v5 =	vmul.u32 $0x2710, v56  }
0xa8: {  	v63 =	vld [tilespmem:$0x70];
	v57 =	vmul.u32 $0x2710, v10;
	[tilespmem:$0x460] =	vst v62  }
0xa9: {  	v59 =	vmul.u32 $0x2710, v13;
	[tilespmem:$0x440] =	vst v1;
	v1 =	vadd.s32 v2, v5  }
0xaa: {  	v6 =	vadd.s32 v11, v57;
	v2 =	vmul.u32 $0x2710, v3;
	[tilespmem:$0x350] =	vst v1;
	v1 =	vld [tilespmem:$0x270]  }
0xab: {  	v4 =	vadd.s32 v55, v59;
	[tilespmem:$0x330] =	vst v6;
	v3 =	vmul.u32 $0x2710, v61  }
0xac: {  	[tilespmem:$0x340] =	vst v4;
	v2 =	vadd.s32 v60, v2  }
0xad: {  	[tilespmem:$0x360] =	vst v2;
	v2 =	vadd.s32 v63, v3  }
0xae: {  	[tilespmem:$0x370] =	vst v2  }
0xaf: {  	s10 =	simm.s32 $0x300;
	[tilespmem:$0x470] =	vst v1  }
0xb0: {  	[tilespmem:s3], [sflag:$0x2] =	stream.indirect.gather [hbm4b:s19+s6], $0x80, s10, s6, $0xb8;
	[tilespmem:$0x1BD80] =	vst v63  }
0xb1: {  	s11 =	rddreg [dreg:$0xe]  }
0xb2: {  	[tilespmem:s6], [sflag:$0x1] =	stream.linear.gather [hbm4b:s11+s7], $0x80, $0x38;
	[tilespmem:$0x1BD80] =	vst v63  }
.Ltmp3:
0xb3: {  	_ = 	snop;
	(pc) =	sbr.rel .LBB2_4-.Ltmp3, $4  }
0xb4: {  	s13 =	simm.s32 $0x180;
	s12 =	rddreg [dreg:$0xf]  }
0xb5: {  	[tilespmem:s13], [sflag:$0x1] =	stream.linear.gather [hbm4b:s12+s7], $0x80, $0x38;
	[tilespmem:$0x1BD80] =	vst v63  }
0xb6: {  	s31 =	simm.s32 $0x280;
	s8 =	simm.s32 $0x0  }
0xb7: {  	[tilespmem:s31], [sflag:$0x1] =	stream.linear.gather [hbm4b:s0+s7], $0x80, $0x38;
	[tilespmem:$0x1BD80] =	vst v63  }
.LBB2_8:
0xb8: {  	s2 =	simm.s32 @!p1 $0x2  }
0xb9: {  	_ =	swait.ge @!p1 [sflag:s2], $0x4000  }
0xba: {  	[sflag:s2] =	ssyncset.done @!p1 $0x0  }
0xbb: {  	[sflag:s2] =	ssyncadd.s32 @!p1 $0xFFFFC000;
	s2 =	simm.s32 @!p1 $0x480  }
0xbc: {  	[spmem:s16] =	stream.indirect.scatter.add.f32 @!p1 [tilespmem:s11], [sflag:$0x3], $0x80, s2, s10, $0xb8;
	[tilespmem:$0x1BD80] =	vst v63  }
0xbd: {  	s9 =	sadd.s32 $0x60, s9;
	s2 =	simm.s32 @!p2 $0x80  }
0xbe: {  	s10 =	simm.s32 @!p2 $0x300;
	s11 =	simm.s32 @!p2 $0x500;
	p1 =	sgt.u32 s9, $0x9C3  }
0xbf: {  	[tilespmem:s11], [sflag:$0x2] =	stream.indirect.gather @!p2 [hbm4b:s19+s2], $0x80, s10, s2, $0xb8;
	[tilespmem:$0x1BD80] =	vst v63  }
0xc0: {  	s2 =	sadd.s32 @!p1 s8, s17  }
0xc1: {  	s10 =	simm.s32 @!p1 $0x0;
	s11 =	simm.s32 @!p1 $0x80;
	s9 =	sadd.s32 @!p1 $0x600, s2  }
0xc2: {  	[tilespmem:s11], [sflag:$0x1] =	stream.linear.gather @!p1 [hbm4b:s9+s10], $0x80, $0x38;
	[tilespmem:$0x1BD80] =	vst v63  }
0xc3: {  	s9 =	sadd.s32 @!p1 s8, s18  }
0xc4: {  	s11 =	simm.s32 @!p1 $0x180;
	s9 =	sadd.s32 @!p1 $0x600, s9  }
0xc5: {  	[tilespmem:s11], [sflag:$0x1] =	stream.linear.gather @!p1 [hbm4b:s9+s10], $0x80, $0x38;
	[tilespmem:$0x1BD80] =	vst v63  }
0xc6: {  	s2 =	sadd.s32 @!p1 $0xA240, s2;
	s8 =	sadd.s32 $0x400, s8;
	s9 =	simm.s32 @!p1 $0x280  }
0xc7: {  	[tilespmem:s9], [sflag:$0x1] =	stream.linear.gather @!p1 [hbm4b:s2+s10], $0x80, $0x38;
	[tilespmem:$0x1BD80] =	vst v63  }
0xc8: {  	p1 =	sne.s32 s8, $0xA000  }
.Ltmp4:
0xc9: {  	_ = 	snop;
	(pc) =	sbr.rel @!p1 .LBB2_9-.Ltmp4, $2  }
0xca: {  	_ =	sdelay $0x2  }
0xcb: {  	s7 =	sadd.s32 $0x40, s7  }
.LBB2_4:
0xcc: {  	p1 =	sge.u32 s7, s29  }
.Ltmp5:
0xcd: {  	p2 =	seq.s32 s8, $0x0;
	(pc) =	sbr.rel @p1 .LBB2_6-.Ltmp5, $4  }
0xce: {  	s9 =	simm.s32 @!p2 $0x3  }
0xcf: {  	_ =	swait.ge @!p2 [sflag:s9], $0x4000  }
0xd0: {  	[sflag:s9] =	ssyncset.done @!p2 $0x0  }
0xd1: {  	[sflag:s9] =	ssyncadd.s32 @!p2 $0xFFFFC000  }
0xd2: {  	_ =	swait.ge [sflag:s5], $0x80  }
0xd3: {  	[sflag:s5] =	ssyncset.done $0x0  }
0xd4: {  	[sflag:s5] =	ssyncadd.s32 $0xFFFFFF80  }
0xd5: {  	_ =	swait.ge [sflag:s5], $0x80  }
0xd6: {  	[sflag:s5] =	ssyncset.done $0x0  }
0xd7: {  	[sflag:s5] =	ssyncadd.s32 $0xFFFFFF80  }
0xd8: {  	_ =	swait.ge [sflag:s5], $0x80  }
0xd9: {  	[sflag:s5] =	ssyncset.done $0x0  }
0xda: {  	[sflag:s5] =	ssyncadd.s32 $0xFFFFFF80  }
0xdb: {  	v1 =	vld [tilespmem:$0x180]  }
0xdc: {  	v2 =	vld [tilespmem:$0x80]  }
0xdd: {  	v3 =	vld [tilespmem:$0x280]  }
0xde: {  	v4 =	vld [tilespmem:$0x190]  }
0xdf: {  	v5 =	vld [tilespmem:$0x90]  }
0xe0: {  	v6 =	vld [tilespmem:$0x290]  }
0xe1: {  	v7 =	vld [tilespmem:$0x1A0]  }
0xe2: {  	v8 =	vld [tilespmem:$0xA0]  }
0xe3: {  	v9 =	vld [tilespmem:$0x2A0]  }
0xe4: {  	v10 =	vld [tilespmem:$0x1B0]  }
0xe5: {  	v11 =	vld [tilespmem:$0xB0]  }
0xe6: {  	v12 =	vld [tilespmem:$0x2B0]  }
0xe7: {  	v13 =	vld [tilespmem:$0x1C0]  }
0xe8: {  	v55 =	vld [tilespmem:$0xC0];
	v1 =	vmul.u32 $0x2710, v1  }
0xe9: {  	v56 =	vld [tilespmem:$0x1D0];
	[tilespmem:$0x480] =	vst v3  }
0xea: {  	v58 =	vld [tilespmem:$0x2D0];
	[tilespmem:$0x490] =	vst v6;
	v1 =	vadd.s32 v2, v1;
	v2 =	vmul.u32 $0x2710, v4  }
0xeb: {  	v62 =	vld [tilespmem:$0x2E0];
	v3 =	vmul.u32 $0x2710, v7;
	[tilespmem:$0x4A0] =	vst v9  }
0xec: {  	[tilespmem:$0x380] =	vst v1;
	v1 =	vld [tilespmem:$0x2C0];
	v2 =	vadd.s32 v5, v2  }
0xed: {  	v3 =	vadd.s32 v8, v3;
	[tilespmem:$0x390] =	vst v2;
	v2 =	vld [tilespmem:$0xD0]  }
0xee: {  	[tilespmem:$0x3A0] =	vst v3;
	v3 =	vld [tilespmem:$0x1E0]  }
0xef: {  	v61 =	vld [tilespmem:$0x1F0];
	[tilespmem:$0x4B0] =	vst v12  }
0xf0: {  	v60 =	vld [tilespmem:$0xE0];
	[tilespmem:$0x4D0] =	vst v58;
	v5 =	vmul.u32 $0x2710, v56  }
0xf1: {  	v63 =	vld [tilespmem:$0xF0];
	v57 =	vmul.u32 $0x2710, v10;
	[tilespmem:$0x4E0] =	vst v62  }
0xf2: {  	v59 =	vmul.u32 $0x2710, v13;
	[tilespmem:$0x4C0] =	vst v1;
	v1 =	vadd.s32 v2, v5  }
0xf3: {  	v6 =	vadd.s32 v11, v57;
	v2 =	vmul.u32 $0x2710, v3;
	[tilespmem:$0x3D0] =	vst v1;
	v1 =	vld [tilespmem:$0x2F0]  }
0xf4: {  	v4 =	vadd.s32 v55, v59;
	[tilespmem:$0x3B0] =	vst v6;
	v3 =	vmul.u32 $0x2710, v61  }
0xf5: {  	[tilespmem:$0x3C0] =	vst v4;
	v2 =	vadd.s32 v60, v2  }
0xf6: {  	[tilespmem:$0x3E0] =	vst v2;
	v2 =	vadd.s32 v63, v3  }
0xf7: {  	[tilespmem:$0x3F0] =	vst v2  }
0xf8: {  	[tilespmem:$0x4F0] =	vst v1  }
.LBB2_6:
0xf9: {  	p3 =	sge.u32 s7, s30  }
0xfa: {  	s9 =	sadd.s32 s7, s1;
	s10 =	simm.s32 @!p3 $0x2  }
0xfb: {  	s12 =	sadd.s32 $0x40, s9;
	s11 =	simm.s32 @!p3 $0x400;
	_ =	swait.ge @!p3 [sflag:s10], $0x4000  }
0xfc: {  	s13 =	simm.s32 @!p3 $0x500;
	p2 =	sgt.u32 s12, $0x9C3;
	[sflag:s10] =	ssyncset.done @!p3 $0x0  }
0xfd: {  	s12 =	sadd.s32 @!p2 s8, s17;
	[sflag:s10] =	ssyncadd.s32 @!p3 $0xFFFFC000;
	s10 =	simm.s32 @!p3 $0x80  }
0xfe: {  	[spmem:s16] =	stream.indirect.scatter.add.f32 @!p3 [tilespmem:s13], [sflag:$0x3], $0x80, s11, s10, $0xb8;
	[tilespmem:$0x1BD80] =	vst v63  }
0xff: {  	s10 =	simm.s32 @!p1 $0x80;
	s13 =	simm.s32 @!p1 $0x380;
	s11 =	simm.s32 @!p1 $0x4500  }
0x100: {  	[tilespmem:s11], [sflag:$0x2] =	stream.indirect.gather @!p1 [hbm4b:s19+s10], $0x80, s13, s10, $0xb8;
	[tilespmem:$0x1BD80] =	vst v63  }
0x101: {  	s2 =	simm.s32 @!p2 $0x0;
	s13 =	sadd.s32 @!p2 $0x400, s12  }
0x102: {  	[tilespmem:s2], [sflag:$0x1] =	stream.linear.gather @!p2 [hbm4b:s13+s2], $0x80, $0x38;
	[tilespmem:$0x1BD80] =	vst v63  }
0x103: {  	s13 =	sadd.s32 @!p2 s8, s18  }
0x104: {  	s31 =	simm.s32 @!p2 $0x100;
	s13 =	sadd.s32 @!p2 $0x400, s13  }
0x105: {  	[tilespmem:s31], [sflag:$0x1] =	stream.linear.gather @!p2 [hbm4b:s13+s2], $0x80, $0x38;
	[tilespmem:$0x1BD80] =	vst v63  }
0x106: {  	s12 =	sadd.s32 @!p2 $0xA040, s12;
	s13 =	simm.s32 @!p2 $0x200  }
0x107: {  	[tilespmem:s13], [sflag:$0x1] =	stream.linear.gather @!p2 [hbm4b:s12+s2], $0x80, $0x38;
	[tilespmem:$0x1BD80] =	vst v63  }
.Ltmp6:
0x108: {  	_ = 	snop;
	(pc) =	sbr.rel @p2 .LBB2_8-.Ltmp6, $4  }
0x109: {  	s2 =	simm.s32 @!p3 $0x3  }
0x10a: {  	_ =	swait.ge @!p3 [sflag:s2], $0x4000  }
0x10b: {  	[sflag:s2] =	ssyncset.done @!p3 $0x0  }
0x10c: {  	[sflag:s2] =	ssyncadd.s32 @!p3 $0xFFFFC000  }
0x10d: {  	_ =	swait.ge [sflag:s5], $0x80  }
0x10e: {  	[sflag:s5] =	ssyncset.done $0x0  }
0x10f: {  	[sflag:s5] =	ssyncadd.s32 $0xFFFFFF80  }
0x110: {  	_ =	swait.ge [sflag:s5], $0x80  }
0x111: {  	[sflag:s5] =	ssyncset.done $0x0  }
0x112: {  	[sflag:s5] =	ssyncadd.s32 $0xFFFFFF80  }
0x113: {  	_ =	swait.ge [sflag:s5], $0x80  }
0x114: {  	[sflag:s5] =	ssyncset.done $0x0  }
0x115: {  	[sflag:s5] =	ssyncadd.s32 $0xFFFFFF80  }
0x116: {  	v1 =	vld [tilespmem:$0x100]  }
0x117: {  	v2 =	vld [tilespmem:$0x0]  }
0x118: {  	v3 =	vld [tilespmem:$0x200]  }
0x119: {  	v4 =	vld [tilespmem:$0x110]  }
0x11a: {  	v5 =	vld [tilespmem:$0x10]  }
0x11b: {  	v6 =	vld [tilespmem:$0x210]  }
0x11c: {  	v7 =	vld [tilespmem:$0x120]  }
0x11d: {  	v8 =	vld [tilespmem:$0x20]  }
0x11e: {  	v9 =	vld [tilespmem:$0x220]  }
0x11f: {  	v10 =	vld [tilespmem:$0x130]  }
0x120: {  	v11 =	vld [tilespmem:$0x30]  }
0x121: {  	v12 =	vld [tilespmem:$0x230]  }
0x122: {  	v13 =	vld [tilespmem:$0x140]  }
0x123: {  	v55 =	vld [tilespmem:$0x40];
	v1 =	vmul.u32 $0x2710, v1  }
0x124: {  	v56 =	vld [tilespmem:$0x150];
	[tilespmem:$0x400] =	vst v3  }
0x125: {  	v58 =	vld [tilespmem:$0x250];
	[tilespmem:$0x410] =	vst v6;
	v1 =	vadd.s32 v2, v1;
	v2 =	vmul.u32 $0x2710, v4  }
0x126: {  	v62 =	vld [tilespmem:$0x260];
	v3 =	vmul.u32 $0x2710, v7;
	[tilespmem:$0x420] =	vst v9  }
0x127: {  	[tilespmem:$0x300] =	vst v1;
	v1 =	vld [tilespmem:$0x240];
	v2 =	vadd.s32 v5, v2  }
0x128: {  	v3 =	vadd.s32 v8, v3;
	[tilespmem:$0x310] =	vst v2;
	v2 =	vld [tilespmem:$0x50]  }
0x129: {  	[tilespmem:$0x320] =	vst v3;
	v3 =	vld [tilespmem:$0x160]  }
0x12a: {  	v61 =	vld [tilespmem:$0x170];
	[tilespmem:$0x430] =	vst v12  }
0x12b: {  	v60 =	vld [tilespmem:$0x60];
	[tilespmem:$0x450] =	vst v58;
	v5 =	vmul.u32 $0x2710, v56  }
0x12c: {  	v63 =	vld [tilespmem:$0x70];
	v57 =	vmul.u32 $0x2710, v10;
	[tilespmem:$0x460] =	vst v62  }
0x12d: {  	v59 =	vmul.u32 $0x2710, v13;
	[tilespmem:$0x440] =	vst v1;
	v1 =	vadd.s32 v2, v5  }
0x12e: {  	v6 =	vadd.s32 v11, v57;
	v2 =	vmul.u32 $0x2710, v3;
	[tilespmem:$0x350] =	vst v1;
	v1 =	vld [tilespmem:$0x270]  }
.Ltmp7:
0x12f: {  	v4 =	vadd.s32 v55, v59;
	[tilespmem:$0x330] =	vst v6;
	v3 =	vmul.u32 $0x2710, v61;
	(pc) =	sbr.rel .LBB2_8-.Ltmp7, $4  }
0x130: {  	[tilespmem:$0x340] =	vst v4;
	v2 =	vadd.s32 v60, v2  }
0x131: {  	[tilespmem:$0x360] =	vst v2;
	v2 =	vadd.s32 v63, v3  }
0x132: {  	[tilespmem:$0x370] =	vst v2  }
0x133: {  	[tilespmem:$0x470] =	vst v1  }
.LBB2_10:
0x134: {  	_ =	sfence.sel $0x180000  }
0x135: {  	[bflag:$0x0] =	sbarrier.arrive $0xFFFF  }
0x136: {  	_ =	strace $0x90000047  }
0x137: {  	s0 =	stileid.u32;
	[bflag:$0x2] =	sbarrier.arrive $0xFFFF  }
0x138: {  	p0 =	sne.s32 s0, $0x0;
	s0 =	rddreg [dreg:$0x4]  }
0x139: {  	s0 =	sadd.s32 @!p0 $0x100000, s0  }
0x13a: {  	[sflag:s0] =	ssyncadd.tile.s32 @!p0 $0x1;
	_ =	shalt  }
.Lfunc_end2:
_tile_overlayer_lowered:
.L_overlay_start_2:
0x13b: {  	(tag) =	ssettag $0x2  }
0x13c: {  	s0 =	rddreg [dreg:$0x0];
	s2 =	stileid.u32  }
0x13d: {  	s1 =	rddreg [dreg:$0x1];
	p0 =	sne.s32 s2, $0x0  }
0x13e: {  	s3 =	rddreg [dreg:$0x2];
	[bflag:$0x3] =	sbarrier.arrive $0xFFFF;
	s2 =	simm.s32 @!p0 $0x1C04  }
0x13f: {  	[timem:s3], [sflag:s2] =	dma.local @!p0 [hbm:s0], s1  }
0x140: {  	s0 =	simm.s32 @!p0 $0x4  }
0x141: {  	_ =	swait.ge @!p0 [sflag:s0], s1  }
0x142: {  	s1 =	ssub.s32 @!p0 $0x0, s1;
	[sflag:s0] =	ssyncset.done @!p0 $0x0  }
0x143: {  	[sflag:s0] =	ssyncadd.s32 @!p0 s1  }
0x144: {  	[bflag:$0x3] =	sbarrier.arrive $0xFFFF  }
0x145: {  	_ =	shalt  }

</sc_bundles>
